<compile_context>
chip_gen: v7x
topology: tpu7x:2x2x1
jax: 0.10.2.dev20260603
libtpu: 0.0.44.dev20260713+nightly
codegen_flags: <defaults>
</compile_context>

<pallas_src>
import functools

import jax
import jax.numpy as jnp
from jax.experimental import pallas as pl
from jax.experimental.pallas import tpu as pltpu

N = 20000
IOU_THRESH = 0.7
C = 128
NEG = -1.0e9


def _iou_tile(px1, py1, px2, py2, pa, qx1, qy1, qx2, qy2, qa):
    lt_x = jnp.maximum(px1, qx1)
    lt_y = jnp.maximum(py1, qy1)
    rb_x = jnp.minimum(px2, qx2)
    rb_y = jnp.minimum(py2, qy2)
    w = jnp.maximum(rb_x - lt_x, 0.0)
    h = jnp.maximum(rb_y - lt_y, 0.0)
    inter = w * h
    union = (pa + qa) - inter
    return inter / jnp.maximum(union, 1e-8)


def _nms_kernel(nb, n_real, x1_ref, y1_ref, x2_ref, y2_ref, a_ref, act_ref,
                sx1, sy1, sx2, sy2, sa):
    ridx = jax.lax.broadcasted_iota(jnp.int32, (nb, C), 0)
    lidx = jax.lax.broadcasted_iota(jnp.int32, (nb, C), 1)
    act_ref[...] = ((ridx * C + lidx) < n_real).astype(jnp.float32)

    def col_bcast(row):
        return jnp.transpose(jnp.broadcast_to(row, (C, C)))

    def outer(b, _):
        qx1 = x1_ref[pl.ds(b, 1), :]
        qy1 = y1_ref[pl.ds(b, 1), :]
        qx2 = x2_ref[pl.ds(b, 1), :]
        qy2 = y2_ref[pl.ds(b, 1), :]
        qa = a_ref[pl.ds(b, 1), :]

        px1 = col_bcast(qx1)
        py1 = col_bcast(qy1)
        px2 = col_bcast(qx2)
        py2 = col_bcast(qy2)
        pa = col_bcast(qa)

        iou_bb = _iou_tile(px1, py1, px2, py2, pa, qx1, qy1, qx2, qy2, qa)
        p_iota = jax.lax.broadcasted_iota(jnp.int32, (C, C), 0)
        q_iota = jax.lax.broadcasted_iota(jnp.int32, (C, C), 1)
        s_mat = jnp.where((iou_bb > IOU_THRESH) & (p_iota < q_iota), 1.0, 0.0)

        act0 = act_ref[pl.ds(b, 1), :]

        def fp_cond(carry):
            _, changed = carry
            return changed

        def fp_body(carry):
            keep, _ = carry
            keep_col = col_bcast(keep)
            supp = jnp.max(keep_col * s_mat, axis=0, keepdims=True)
            new = act0 * (1.0 - supp)
            changed = jnp.sum(jnp.abs(new - keep)) > 0.0
            return new, changed

        keep, _ = jax.lax.while_loop(fp_cond, fp_body,
                                     (act0, jnp.bool_(True)))
        act_ref[pl.ds(b, 1), :] = keep

        keep_col = col_bcast(keep)
        dead = keep_col == 0.0
        sx1[...] = jnp.where(dead, NEG, px1)
        sy1[...] = jnp.where(dead, NEG, py1)
        sx2[...] = jnp.where(dead, NEG, px2)
        sy2[...] = jnp.where(dead, NEG, py2)
        sa[...] = jnp.where(dead, 0.0, pa)

        G = 4

        def inner(g, _):
            c0 = b + 1 + g * G
            for k in range(G):
                c = jnp.minimum(c0 + k, nb - 1)
                cx1 = x1_ref[pl.ds(c, 1), :]
                cy1 = y1_ref[pl.ds(c, 1), :]
                cx2 = x2_ref[pl.ds(c, 1), :]
                cy2 = y2_ref[pl.ds(c, 1), :]
                ca = a_ref[pl.ds(c, 1), :]
                iou = _iou_tile(sx1[...], sy1[...], sx2[...], sy2[...],
                                sa[...], cx1, cy1, cx2, cy2, ca)
                hit = jnp.max(iou, axis=0, keepdims=True) > IOU_THRESH
                cur = act_ref[pl.ds(c, 1), :]
                act_ref[pl.ds(c, 1), :] = jnp.where(hit, 0.0, cur)
            return 0

        ntrip = (nb - (b + 1) + G - 1) // G
        jax.lax.fori_loop(0, ntrip, inner, 0, unroll=False)
        return 0

    jax.lax.fori_loop(0, nb, outer, 0, unroll=False)


@jax.jit
def kernel(boxes, scores):
    n = scores.shape[0]
    order = jnp.argsort(-scores)
    bs = boxes[order]
    npad = ((n + C - 1) // C) * C
    nb = npad // C

    def chunked(v):
        return jnp.pad(v, (0, npad - n)).reshape(nb, C)

    x1 = chunked(bs[:, 0])
    y1 = chunked(bs[:, 1])
    x2 = chunked(bs[:, 2])
    y2 = chunked(bs[:, 3])
    area = (x2 - x1) * (y2 - y1)

    scratch = [pltpu.VMEM((C, C), jnp.float32)] * 5
    keepf = pl.pallas_call(
        functools.partial(_nms_kernel, nb, n),
        out_shape=jax.ShapeDtypeStruct((nb, C), jnp.float32),
        scratch_shapes=scratch,
    )(x1, y1, x2, y2, area)

    keep_sorted = keepf.reshape(-1)[:n] > 0.5
    keep = jnp.zeros((n,), jnp.bool_).at[order].set(keep_sorted)
    kept_scores = jnp.where(keep, scores, 0.0)
    return kept_scores, keep

# --- scband reference (transcript-rebuilt; emitter-appended) ---
"""Pipeline reference for scband-sam3-model-37469294690377 (READ-ONLY COPY).

The authoritative reference and input builder live on the scoring server;
editing this copy changes nothing except your own understanding.
"""

import jax, jax.numpy as jnp
import numpy as np

N = 20000
IOU_THRESH = 0.7


def setup_inputs(seed: int = 0) -> dict:
    key = jax.random.key(seed)
    k1, k2, k3 = jax.random.split(key, 3)
    # realistic boxes: random top-left corner on a ~1024px canvas, positive width/height
    xy = jax.random.uniform(k1, (N, 2), dtype=jnp.float32) * 1024.0
    wh = jax.random.uniform(k2, (N, 2), dtype=jnp.float32) * 120.0 + 4.0
    boxes = jnp.concatenate([xy, xy + wh], axis=-1)
    scores = jax.random.uniform(k3, (N,), dtype=jnp.float32)
    return {"boxes": boxes, "scores": scores}


def _box_iou_one(box, boxes):
    # IoU of one box [4] against all boxes [N,4]; mirrors box_iou in the source
    area1 = (box[2] - box[0]) * (box[3] - box[1])
    area2 = (boxes[:, 2] - boxes[:, 0]) * (boxes[:, 3] - boxes[:, 1])
    lt = jnp.maximum(box[:2], boxes[:, :2])
    rb = jnp.minimum(box[2:], boxes[:, 2:])
    wh = jnp.clip(rb - lt, 0.0, None)
    inter = wh[:, 0] * wh[:, 1]
    union = area1 + area2 - inter
    return inter / jnp.clip(union, 1e-8, None)


def _nms_keep(boxes, scores, iou_threshold):
    # Greedy NMS identical in semantics to nms_masks: sort by score desc,
    # keep the highest-scoring active box, suppress overlapping later boxes.
    n = boxes.shape[0]
    order = jnp.argsort(-scores)
    boxes_s = boxes[order]
    idxs = jnp.arange(n)

    def body(i, state):
        active, keep = state
        is_active = active[i]
        keep = keep.at[i].set(is_active)
        ious = _box_iou_one(boxes_s[i], boxes_s)
        suppress = (ious > iou_threshold) & is_active & (idxs > i)
        active = active & (~suppress)
        return (active, keep)

    active0 = jnp.ones((n,), dtype=bool)
    keep0 = jnp.zeros((n,), dtype=bool)
    _, keep_sorted = jax.lax.fori_loop(0, n, body, (active0, keep0))
    # scatter keep flags back to original box order
    keep = jnp.zeros((n,), dtype=bool).at[order].set(keep_sorted)
    return keep


def reference(boxes, scores):
    keep = _nms_keep(boxes, scores, IOU_THRESH)
    # scores of surviving boxes (zeroed for suppressed) + boolean keep mask
    kept_scores = jnp.where(keep, scores, 0.0)
    return kept_scores, keep

if __name__ == "__main__":
    import jax
    _d = setup_inputs()
    print(jax.jit(kernel)(*tuple(_d.values())))

</pallas_src>

<mosaic_0001>
module attributes {stable_mosaic.version = 14 : i64} {
  func.func @_nms_kernel(%arg0: memref<157x128xf32, #tpu.memory_space<vmem>>, %arg1: memref<157x128xf32, #tpu.memory_space<vmem>>, %arg2: memref<157x128xf32, #tpu.memory_space<vmem>>, %arg3: memref<157x128xf32, #tpu.memory_space<vmem>>, %arg4: memref<157x128xf32, #tpu.memory_space<vmem>>, %arg5: memref<157x128xf32, #tpu.memory_space<vmem>>, %arg6: memref<128x128xf32, #tpu.memory_space<vmem>>, %arg7: memref<128x128xf32, #tpu.memory_space<vmem>>, %arg8: memref<128x128xf32, #tpu.memory_space<vmem>>, %arg9: memref<128x128xf32, #tpu.memory_space<vmem>>, %arg10: memref<128x128xf32, #tpu.memory_space<vmem>>) attributes {dimension_semantics = [], scalar_prefetch = 0 : i64, scratch_operands = 5 : i64, tpu.core_type = #tpu.core_type<tc>} {
    %iota3A = tpu.iota {dimensions = array<i32: 0>} : vector<157x128xi32>
    %iota3A_0 = tpu.iota {dimensions = array<i32: 1>} : vector<157x128xi32>
    %mul3A = arith.constant 128 : i32
    %mul3A_1 = vector.broadcast %mul3A : i32 to vector<157x128xi32>
    %mul3A_2 = arith.muli %iota3A, %mul3A_1 : vector<157x128xi32>
    %add3A = arith.addi %mul3A_2, %iota3A_0 : vector<157x128xi32>
    %lt3A = arith.constant 20000 : i32
    %lt3A_3 = vector.broadcast %lt3A : i32 to vector<157x128xi32>
    %lt3A_4 = arith.cmpi slt, %add3A, %lt3A_3 : vector<157x128xi32>
    %convert_element_type3A = arith.extui %lt3A_4 : vector<157x128xi1> to vector<157x128xi32>
    %convert_element_type3A_5 = arith.sitofp %convert_element_type3A : vector<157x128xi32> to vector<157x128xf32>
    %swap3A = arith.constant 0 : index
    %swap3A_6 = arith.constant 0 : index
    %swap3A_7 = vector.load %arg5[%swap3A, %swap3A_6] : memref<157x128xf32, #tpu.memory_space<vmem>>, vector<157x128xf32>
    tpu.vector_store %arg5[%swap3A, %swap3A_6], %convert_element_type3A_5 {strides = array<i32>} : memref<157x128xf32, #tpu.memory_space<vmem>>, vector<157x128xf32>,
    %scan3A = arith.constant 0 : i32
    %scan3A_8 = arith.constant 157 : i32
    %scan3A_9 = arith.addi %scan3A, %scan3A_8 : i32
    %scan3A_10 = arith.constant 1 : i32
    scf.for %scan3A_12 = %scan3A to %scan3A_9 step %scan3A_10  : i32 {
      %get3A = arith.index_cast %scan3A_12 : i32 to index
      %get3A_13 = arith.constant 0 : index
      %get3A_14 = vector.load %arg0[%get3A, %get3A_13] : memref<157x128xf32, #tpu.memory_space<vmem>>, vector<1x128xf32>
      %get3A_15 = arith.index_cast %scan3A_12 : i32 to index
      %get3A_16 = arith.constant 0 : index
      %get3A_17 = vector.load %arg1[%get3A_15, %get3A_16] : memref<157x128xf32, #tpu.memory_space<vmem>>, vector<1x128xf32>
      %get3A_18 = arith.index_cast %scan3A_12 : i32 to index
      %get3A_19 = arith.constant 0 : index
      %get3A_20 = vector.load %arg2[%get3A_18, %get3A_19] : memref<157x128xf32, #tpu.memory_space<vmem>>, vector<1x128xf32>
      %get3A_21 = arith.index_cast %scan3A_12 : i32 to index
      %get3A_22 = arith.constant 0 : index
      %get3A_23 = vector.load %arg3[%get3A_21, %get3A_22] : memref<157x128xf32, #tpu.memory_space<vmem>>, vector<1x128xf32>
      %get3A_24 = arith.index_cast %scan3A_12 : i32 to index
      %get3A_25 = arith.constant 0 : index
      %get3A_26 = vector.load %arg4[%get3A_24, %get3A_25] : memref<157x128xf32, #tpu.memory_space<vmem>>, vector<1x128xf32>
      %broadcast_in_dim3A = vector.shape_cast %get3A_14 : vector<1x128xf32> to vector<1x128xf32>
      %broadcast_in_dim3A_27 = vector.broadcast %broadcast_in_dim3A : vector<1x128xf32> to vector<128x128xf32>
      %transpose3A = tpu.transpose %broadcast_in_dim3A_27, [1, 0] : vector<128x128xf32> -> vector<128x128xf32>
      %broadcast_in_dim3A_28 = vector.shape_cast %get3A_17 : vector<1x128xf32> to vector<1x128xf32>
      %broadcast_in_dim3A_29 = vector.broadcast %broadcast_in_dim3A_28 : vector<1x128xf32> to vector<128x128xf32>
      %transpose3A_30 = tpu.transpose %broadcast_in_dim3A_29, [1, 0] : vector<128x128xf32> -> vector<128x128xf32>
      %broadcast_in_dim3A_31 = vector.shape_cast %get3A_20 : vector<1x128xf32> to vector<1x128xf32>
      %broadcast_in_dim3A_32 = vector.broadcast %broadcast_in_dim3A_31 : vector<1x128xf32> to vector<128x128xf32>
      %transpose3A_33 = tpu.transpose %broadcast_in_dim3A_32, [1, 0] : vector<128x128xf32> -> vector<128x128xf32>
      %broadcast_in_dim3A_34 = vector.shape_cast %get3A_23 : vector<1x128xf32> to vector<1x128xf32>
      %broadcast_in_dim3A_35 = vector.broadcast %broadcast_in_dim3A_34 : vector<1x128xf32> to vector<128x128xf32>
      %transpose3A_36 = tpu.transpose %broadcast_in_dim3A_35, [1, 0] : vector<128x128xf32> -> vector<128x128xf32>
      %broadcast_in_dim3A_37 = vector.shape_cast %get3A_26 : vector<1x128xf32> to vector<1x128xf32>
      %broadcast_in_dim3A_38 = vector.broadcast %broadcast_in_dim3A_37 : vector<1x128xf32> to vector<128x128xf32>
      %transpose3A_39 = tpu.transpose %broadcast_in_dim3A_38, [1, 0] : vector<128x128xf32> -> vector<128x128xf32>
      %max3A = vector.broadcast %get3A_14 : vector<1x128xf32> to vector<128x128xf32>
      %max3A_40 = arith.maximumf %transpose3A, %max3A : vector<128x128xf32>
      %max3A_41 = vector.broadcast %get3A_17 : vector<1x128xf32> to vector<128x128xf32>
      %max3A_42 = arith.maximumf %transpose3A_30, %max3A_41 : vector<128x128xf32>
      %min3A = vector.broadcast %get3A_20 : vector<1x128xf32> to vector<128x128xf32>
      %min3A_43 = arith.minimumf %transpose3A_33, %min3A : vector<128x128xf32>
      %min3A_44 = vector.broadcast %get3A_23 : vector<1x128xf32> to vector<128x128xf32>
      %min3A_45 = arith.minimumf %transpose3A_36, %min3A_44 : vector<128x128xf32>
      %sub3A = arith.subf %min3A_43, %max3A_40 : vector<128x128xf32>
      %max3A_46 = arith.constant 0.000000e+00 : f32
      %max3A_47 = vector.broadcast %max3A_46 : f32 to vector<128x128xf32>
      %max3A_48 = arith.maximumf %sub3A, %max3A_47 : vector<128x128xf32>
      %sub3A_49 = arith.subf %min3A_45, %max3A_42 : vector<128x128xf32>
      %max3A_50 = arith.constant 0.000000e+00 : f32
      %max3A_51 = vector.broadcast %max3A_50 : f32 to vector<128x128xf32>
      %max3A_52 = arith.maximumf %sub3A_49, %max3A_51 : vector<128x128xf32>
      %mul3A_53 = arith.mulf %max3A_48, %max3A_52 : vector<128x128xf32>
      %add3A_54 = vector.broadcast %get3A_26 : vector<1x128xf32> to vector<128x128xf32>
      %add3A_55 = arith.addf %transpose3A_39, %add3A_54 : vector<128x128xf32>
      %sub3A_56 = arith.subf %add3A_55, %mul3A_53 : vector<128x128xf32>
      %max3A_57 = arith.constant 9.99999993E-9 : f32
      %max3A_58 = vector.broadcast %max3A_57 : f32 to vector<128x128xf32>
      %max3A_59 = arith.maximumf %sub3A_56, %max3A_58 : vector<128x128xf32>
      %div3A = arith.divf %mul3A_53, %max3A_59 : vector<128x128xf32>
      %iota3A_60 = tpu.iota {dimensions = array<i32: 0>} : vector<128x128xi32>
      %iota3A_61 = tpu.iota {dimensions = array<i32: 1>} : vector<128x128xi32>
      %gt3A = arith.constant 0.699999988 : f32
      %gt3A_62 = vector.broadcast %gt3A : f32 to vector<128x128xf32>
      %gt3A_63 = arith.cmpf ogt, %div3A, %gt3A_62 : vector<128x128xf32>
      %lt3A_64 = arith.cmpi slt, %iota3A_60, %iota3A_61 : vector<128x128xi32>
      %and3A = arith.andi %gt3A_63, %lt3A_64 : vector<128x128xi1>
      %jit3A = arith.constant 1.000000e+00 : f32
      %jit3A_65 = arith.constant 0.000000e+00 : f32
      %broadcast_in_dim3A_66 = vector.broadcast %jit3A : f32 to vector<128x128xf32>
      %broadcast_in_dim3A_67 = vector.broadcast %jit3A_65 : f32 to vector<128x128xf32>
      %select_n3A = arith.select %and3A, %broadcast_in_dim3A_66, %broadcast_in_dim3A_67 : vector<128x128xi1>, vector<128x128xf32>
      %get3A_68 = arith.index_cast %scan3A_12 : i32 to index
      %get3A_69 = arith.constant 0 : index
      %get3A_70 = vector.load %arg5[%get3A_68, %get3A_69] : memref<157x128xf32, #tpu.memory_space<vmem>>, vector<1x128xf32>
      %while3A = arith.constant true
      %while3A_71:2 = scf.while (%while3A_151 = %get3A_70, %while3A_152 = %while3A) : (vector<1x128xf32>, i1) -> (vector<1x128xf32>, i1) {
        scf.condition(%while3A_152) %while3A_151, %while3A_152 : vector<1x128xf32>, i1
      } do {
      ^bb0(%while3A_151: vector<1x128xf32>, %while3A_152: i1):
        %broadcast_in_dim3A_153 = vector.shape_cast %while3A_151 : vector<1x128xf32> to vector<1x128xf32>
        %broadcast_in_dim3A_154 = vector.broadcast %broadcast_in_dim3A_153 : vector<1x128xf32> to vector<128x128xf32>
        %transpose3A_155 = tpu.transpose %broadcast_in_dim3A_154, [1, 0] : vector<128x128xf32> -> vector<128x128xf32>
        %mul3A_156 = arith.mulf %transpose3A_155, %select_n3A : vector<128x128xf32>
        %reduce_max3A = arith.constant dense<0xFF800000> : vector<128xf32>
        %reduce_max3A_157 = vector.multi_reduction <maximumf>, %mul3A_156, %reduce_max3A [0] : vector<128x128xf32> to vector<128xf32>
        %broadcast_in_dim3A_158 = vector.shape_cast %reduce_max3A_157 : vector<128xf32> to vector<1x128xf32>
        %sub3A_159 = arith.constant 1.000000e+00 : f32
        %sub3A_160 = vector.broadcast %sub3A_159 : f32 to vector<1x128xf32>
        %sub3A_161 = arith.subf %sub3A_160, %broadcast_in_dim3A_158 : vector<1x128xf32>
        %mul3A_162 = arith.mulf %get3A_70, %sub3A_161 : vector<1x128xf32>
        %sub3A_163 = arith.subf %mul3A_162, %while3A_151 : vector<1x128xf32>
        %abs3A = math.absf %sub3A_163 : vector<1x128xf32>
        %reduce_sum3A = vector.shape_cast %abs3A : vector<1x128xf32> to vector<1x1x128xf32>
        %reduce_sum3A_164 = arith.constant dense<0.000000e+00> : vector<1xf32>
        %reduce_sum3A_165 = vector.multi_reduction <add>, %reduce_sum3A, %reduce_sum3A_164 [1, 2] : vector<1x1x128xf32> to vector<1xf32>
        %reduce_sum3A_166 = vector.shape_cast %reduce_sum3A_165 : vector<1xf32> to vector<1x1x1xf32>
        %reduce_sum3A_167 = vector.extract %reduce_sum3A_166[0, 0, 0] : f32 from vector<1x1x1xf32>
        %gt3A_168 = arith.constant 0.000000e+00 : f32
        %gt3A_169 = arith.cmpf ogt, %reduce_sum3A_167, %gt3A_168 : f32
        scf.yield %mul3A_162, %gt3A_169 : vector<1x128xf32>, i1
      }
      %swap3A_72 = arith.index_cast %scan3A_12 : i32 to index
      %swap3A_73 = arith.constant 0 : index
      %swap3A_74 = vector.load %arg5[%swap3A_72, %swap3A_73] : memref<157x128xf32, #tpu.memory_space<vmem>>, vector<1x128xf32>
      tpu.vector_store %arg5[%swap3A_72, %swap3A_73], %while3A_71#0 {strides = array<i32>} : memref<157x128xf32, #tpu.memory_space<vmem>>, vector<1x128xf32>,
      %broadcast_in_dim3A_75 = vector.shape_cast %while3A_71#0 : vector<1x128xf32> to vector<1x128xf32>
      %broadcast_in_dim3A_76 = vector.broadcast %broadcast_in_dim3A_75 : vector<1x128xf32> to vector<128x128xf32>
      %transpose3A_77 = tpu.transpose %broadcast_in_dim3A_76, [1, 0] : vector<128x128xf32> -> vector<128x128xf32>
      %eq3A = arith.constant 0.000000e+00 : f32
      %eq3A_78 = vector.broadcast %eq3A : f32 to vector<128x128xf32>
      %eq3A_79 = arith.cmpf oeq, %transpose3A_77, %eq3A_78 : vector<128x128xf32>
      %jit3A_80 = arith.constant -1.000000e+09 : f32
      %broadcast_in_dim3A_81 = vector.broadcast %jit3A_80 : f32 to vector<128x128xf32>
      %select_n3A_82 = arith.select %eq3A_79, %broadcast_in_dim3A_81, %transpose3A : vector<128x128xi1>, vector<128x128xf32>
      %swap3A_83 = arith.constant 0 : index
      %swap3A_84 = arith.constant 0 : index
      %swap3A_85 = vector.load %arg6[%swap3A_83, %swap3A_84] : memref<128x128xf32, #tpu.memory_space<vmem>>, vector<128x128xf32>
      tpu.vector_store %arg6[%swap3A_83, %swap3A_84], %select_n3A_82 {strides = array<i32>} : memref<128x128xf32, #tpu.memory_space<vmem>>, vector<128x128xf32>,
      %jit3A_86 = arith.constant -1.000000e+09 : f32
      %broadcast_in_dim3A_87 = vector.broadcast %jit3A_86 : f32 to vector<128x128xf32>
      %select_n3A_88 = arith.select %eq3A_79, %broadcast_in_dim3A_87, %transpose3A_30 : vector<128x128xi1>, vector<128x128xf32>
      %swap3A_89 = arith.constant 0 : index
      %swap3A_90 = arith.constant 0 : index
      %swap3A_91 = vector.load %arg7[%swap3A_89, %swap3A_90] : memref<128x128xf32, #tpu.memory_space<vmem>>, vector<128x128xf32>
      tpu.vector_store %arg7[%swap3A_89, %swap3A_90], %select_n3A_88 {strides = array<i32>} : memref<128x128xf32, #tpu.memory_space<vmem>>, vector<128x128xf32>,
      %jit3A_92 = arith.constant -1.000000e+09 : f32
      %broadcast_in_dim3A_93 = vector.broadcast %jit3A_92 : f32 to vector<128x128xf32>
      %select_n3A_94 = arith.select %eq3A_79, %broadcast_in_dim3A_93, %transpose3A_33 : vector<128x128xi1>, vector<128x128xf32>
      %swap3A_95 = arith.constant 0 : index
      %swap3A_96 = arith.constant 0 : index
      %swap3A_97 = vector.load %arg8[%swap3A_95, %swap3A_96] : memref<128x128xf32, #tpu.memory_space<vmem>>, vector<128x128xf32>
      tpu.vector_store %arg8[%swap3A_95, %swap3A_96], %select_n3A_94 {strides = array<i32>} : memref<128x128xf32, #tpu.memory_space<vmem>>, vector<128x128xf32>,
      %jit3A_98 = arith.constant -1.000000e+09 : f32
      %broadcast_in_dim3A_99 = vector.broadcast %jit3A_98 : f32 to vector<128x128xf32>
      %select_n3A_100 = arith.select %eq3A_79, %broadcast_in_dim3A_99, %transpose3A_36 : vector<128x128xi1>, vector<128x128xf32>
      %swap3A_101 = arith.constant 0 : index
      %swap3A_102 = arith.constant 0 : index
      %swap3A_103 = vector.load %arg9[%swap3A_101, %swap3A_102] : memref<128x128xf32, #tpu.memory_space<vmem>>, vector<128x128xf32>
      tpu.vector_store %arg9[%swap3A_101, %swap3A_102], %select_n3A_100 {strides = array<i32>} : memref<128x128xf32, #tpu.memory_space<vmem>>, vector<128x128xf32>,
      %jit3A_104 = arith.constant 0.000000e+00 : f32
      %broadcast_in_dim3A_105 = vector.broadcast %jit3A_104 : f32 to vector<128x128xf32>
      %select_n3A_106 = arith.select %eq3A_79, %broadcast_in_dim3A_105, %transpose3A_39 : vector<128x128xi1>, vector<128x128xf32>
      %swap3A_107 = arith.constant 0 : index
      %swap3A_108 = arith.constant 0 : index
      %swap3A_109 = vector.load %arg10[%swap3A_107, %swap3A_108] : memref<128x128xf32, #tpu.memory_space<vmem>>, vector<128x128xf32>
      tpu.vector_store %arg10[%swap3A_107, %swap3A_108], %select_n3A_106 {strides = array<i32>} : memref<128x128xf32, #tpu.memory_space<vmem>>, vector<128x128xf32>,
      %add3A_110 = arith.constant 1 : i32
      %add3A_111 = arith.addi %scan3A_12, %add3A_110 : i32
      %sub3A_112 = arith.constant 157 : i32
      %sub3A_113 = arith.subi %sub3A_112, %add3A_111 : i32
      %add3A_114 = arith.constant 4 : i32
      %add3A_115 = arith.addi %sub3A_113, %add3A_114 : i32
      %sub3A_116 = arith.constant 1 : i32
      %sub3A_117 = arith.subi %add3A_115, %sub3A_116 : i32
      %jit3A_118 = arith.constant 4 : i32
      %div3A_119 = arith.divsi %sub3A_117, %jit3A_118 : i32
      %sign3A = arith.constant 0 : i32
      %sign3A_120 = arith.cmpi sgt, %sub3A_117, %sign3A : i32
      %sign3A_121 = arith.extui %sign3A_120 : i1 to i32
      %sign3A_122 = arith.constant 0 : i32
      %sign3A_123 = arith.cmpi slt, %sub3A_117, %sign3A_122 : i32
      %sign3A_124 = arith.extui %sign3A_123 : i1 to i32
      %sign3A_125 = arith.subi %sign3A_121, %sign3A_124 : i32
      %sign3A_126 = arith.constant 0 : i32
      %sign3A_127 = arith.cmpi sgt, %jit3A_118, %sign3A_126 : i32
      %sign3A_128 = arith.extui %sign3A_127 : i1 to i32
      %sign3A_129 = arith.constant 0 : i32
      %sign3A_130 = arith.cmpi slt, %jit3A_118, %sign3A_129 : i32
      %sign3A_131 = arith.extui %sign3A_130 : i1 to i32
      %sign3A_132 = arith.subi %sign3A_128, %sign3A_131 : i32
      %ne3A = arith.cmpi ne, %sign3A_125, %sign3A_132 : i32
      %rem3A = arith.remsi %sub3A_117, %jit3A_118 : i32
      %ne3A_133 = arith.constant 0 : i32
      %ne3A_134 = arith.cmpi ne, %rem3A, %ne3A_133 : i32
      %and3A_135 = arith.andi %ne3A, %ne3A_134 : i1
      %sub3A_136 = arith.constant 1 : i32
      %sub3A_137 = arith.subi %div3A_119, %sub3A_136 : i32
      %select_n3A_138 = arith.select %and3A_135, %sub3A_137, %div3A_119 : i32
      %while3A_139 = arith.constant 0 : i32
      %while3A_140 = arith.constant 0 : i32
      %while3A_141 = arith.subi %select_n3A_138, %while3A_139 : i32
      %while3A_142 = arith.addi %while3A_139, %while3A_141 : i32
      %while3A_143 = arith.constant 1 : i32
      %while3A_144 = arith.divsi %while3A_141, %while3A_143 : i32
      %while3A_145 = arith.muli %while3A_144, %while3A_143 : i32
      %while3A_146 = arith.addi %while3A_139, %while3A_145 : i32
      %while3A_147 = arith.constant 1 : i32
      %while3A_148 = scf.for %while3A_151 = %while3A_139 to %while3A_146 step %while3A_147 iter_args(%while3A_152 = %while3A_140) -> (i32)  : i32 {
        %add3A_153 = arith.constant 1 : i32
        %add3A_154 = arith.addi %scan3A_12, %add3A_153 : i32
        %mul3A_155 = arith.constant 4 : i32
        %mul3A_156 = arith.muli %while3A_151, %mul3A_155 : i32
        %add3A_157 = arith.addi %add3A_154, %mul3A_156 : i32
        %add3A_158 = arith.constant 0 : i32
        %add3A_159 = arith.addi %add3A_157, %add3A_158 : i32
        %min3A_160 = arith.constant 156 : i32
        %min3A_161 = arith.minsi %add3A_159, %min3A_160 : i32
        %get3A_162 = arith.index_cast %min3A_161 : i32 to index
        %get3A_163 = arith.constant 0 : index
        %get3A_164 = vector.load %arg0[%get3A_162, %get3A_163] : memref<157x128xf32, #tpu.memory_space<vmem>>, vector<1x128xf32>
        %get3A_165 = arith.index_cast %min3A_161 : i32 to index
        %get3A_166 = arith.constant 0 : index
        %get3A_167 = vector.load %arg1[%get3A_165, %get3A_166] : memref<157x128xf32, #tpu.memory_space<vmem>>, vector<1x128xf32>
        %get3A_168 = arith.index_cast %min3A_161 : i32 to index
        %get3A_169 = arith.constant 0 : index
        %get3A_170 = vector.load %arg2[%get3A_168, %get3A_169] : memref<157x128xf32, #tpu.memory_space<vmem>>, vector<1x128xf32>
        %get3A_171 = arith.index_cast %min3A_161 : i32 to index
        %get3A_172 = arith.constant 0 : index
        %get3A_173 = vector.load %arg3[%get3A_171, %get3A_172] : memref<157x128xf32, #tpu.memory_space<vmem>>, vector<1x128xf32>
        %get3A_174 = arith.index_cast %min3A_161 : i32 to index
        %get3A_175 = arith.constant 0 : index
        %get3A_176 = vector.load %arg4[%get3A_174, %get3A_175] : memref<157x128xf32, #tpu.memory_space<vmem>>, vector<1x128xf32>
        %get3A_177 = arith.constant 0 : index
        %get3A_178 = arith.constant 0 : index
        %get3A_179 = vector.load %arg6[%get3A_177, %get3A_178] : memref<128x128xf32, #tpu.memory_space<vmem>>, vector<128x128xf32>
        %get3A_180 = arith.constant 0 : index
        %get3A_181 = arith.constant 0 : index
        %get3A_182 = vector.load %arg7[%get3A_180, %get3A_181] : memref<128x128xf32, #tpu.memory_space<vmem>>, vector<128x128xf32>
        %get3A_183 = arith.constant 0 : index
        %get3A_184 = arith.constant 0 : index
        %get3A_185 = vector.load %arg8[%get3A_183, %get3A_184] : memref<128x128xf32, #tpu.memory_space<vmem>>, vector<128x128xf32>
        %get3A_186 = arith.constant 0 : index
        %get3A_187 = arith.constant 0 : index
        %get3A_188 = vector.load %arg9[%get3A_186, %get3A_187] : memref<128x128xf32, #tpu.memory_space<vmem>>, vector<128x128xf32>
        %get3A_189 = arith.constant 0 : index
        %get3A_190 = arith.constant 0 : index
        %get3A_191 = vector.load %arg10[%get3A_189, %get3A_190] : memref<128x128xf32, #tpu.memory_space<vmem>>, vector<128x128xf32>
        %max3A_192 = vector.broadcast %get3A_164 : vector<1x128xf32> to vector<128x128xf32>
        %max3A_193 = arith.maximumf %get3A_179, %max3A_192 : vector<128x128xf32>
        %max3A_194 = vector.broadcast %get3A_167 : vector<1x128xf32> to vector<128x128xf32>
        %max3A_195 = arith.maximumf %get3A_182, %max3A_194 : vector<128x128xf32>
        %min3A_196 = vector.broadcast %get3A_170 : vector<1x128xf32> to vector<128x128xf32>
        %min3A_197 = arith.minimumf %get3A_185, %min3A_196 : vector<128x128xf32>
        %min3A_198 = vector.broadcast %get3A_173 : vector<1x128xf32> to vector<128x128xf32>
        %min3A_199 = arith.minimumf %get3A_188, %min3A_198 : vector<128x128xf32>
        %sub3A_200 = arith.subf %min3A_197, %max3A_193 : vector<128x128xf32>
        %max3A_201 = arith.constant 0.000000e+00 : f32
        %max3A_202 = vector.broadcast %max3A_201 : f32 to vector<128x128xf32>
        %max3A_203 = arith.maximumf %sub3A_200, %max3A_202 : vector<128x128xf32>
        %sub3A_204 = arith.subf %min3A_199, %max3A_195 : vector<128x128xf32>
        %max3A_205 = arith.constant 0.000000e+00 : f32
        %max3A_206 = vector.broadcast %max3A_205 : f32 to vector<128x128xf32>
        %max3A_207 = arith.maximumf %sub3A_204, %max3A_206 : vector<128x128xf32>
        %mul3A_208 = arith.mulf %max3A_203, %max3A_207 : vector<128x128xf32>
        %add3A_209 = vector.broadcast %get3A_176 : vector<1x128xf32> to vector<128x128xf32>
        %add3A_210 = arith.addf %get3A_191, %add3A_209 : vector<128x128xf32>
        %sub3A_211 = arith.subf %add3A_210, %mul3A_208 : vector<128x128xf32>
        %max3A_212 = arith.constant 9.99999993E-9 : f32
        %max3A_213 = vector.broadcast %max3A_212 : f32 to vector<128x128xf32>
        %max3A_214 = arith.maximumf %sub3A_211, %max3A_213 : vector<128x128xf32>
        %div3A_215 = arith.divf %mul3A_208, %max3A_214 : vector<128x128xf32>
        %reduce_max3A = arith.constant dense<0xFF800000> : vector<128xf32>
        %reduce_max3A_216 = vector.multi_reduction <maximumf>, %div3A_215, %reduce_max3A [0] : vector<128x128xf32> to vector<128xf32>
        %broadcast_in_dim3A_217 = vector.shape_cast %reduce_max3A_216 : vector<128xf32> to vector<1x128xf32>
        %gt3A_218 = arith.constant 0.699999988 : f32
        %gt3A_219 = vector.broadcast %gt3A_218 : f32 to vector<1x128xf32>
        %gt3A_220 = arith.cmpf ogt, %broadcast_in_dim3A_217, %gt3A_219 : vector<1x128xf32>
        %get3A_221 = arith.index_cast %min3A_161 : i32 to index
        %get3A_222 = arith.constant 0 : index
        %get3A_223 = vector.load %arg5[%get3A_221, %get3A_222] : memref<157x128xf32, #tpu.memory_space<vmem>>, vector<1x128xf32>
        %jit3A_224 = arith.constant 0.000000e+00 : f32
        %broadcast_in_dim3A_225 = vector.broadcast %jit3A_224 : f32 to vector<1x128xf32>
        %select_n3A_226 = arith.select %gt3A_220, %broadcast_in_dim3A_225, %get3A_223 : vector<1x128xi1>, vector<1x128xf32>
        %swap3A_227 = arith.index_cast %min3A_161 : i32 to index
        %swap3A_228 = arith.constant 0 : index
        %swap3A_229 = vector.load %arg5[%swap3A_227, %swap3A_228] : memref<157x128xf32, #tpu.memory_space<vmem>>, vector<1x128xf32>
        tpu.vector_store %arg5[%swap3A_227, %swap3A_228], %select_n3A_226 {strides = array<i32>} : memref<157x128xf32, #tpu.memory_space<vmem>>, vector<1x128xf32>,
        %add3A_230 = arith.constant 1 : i32
        %add3A_231 = arith.addi %add3A_157, %add3A_230 : i32
        %min3A_232 = arith.constant 156 : i32
        %min3A_233 = arith.minsi %add3A_231, %min3A_232 : i32
        %get3A_234 = arith.index_cast %min3A_233 : i32 to index
        %get3A_235 = arith.constant 0 : index
        %get3A_236 = vector.load %arg0[%get3A_234, %get3A_235] : memref<157x128xf32, #tpu.memory_space<vmem>>, vector<1x128xf32>
        %get3A_237 = arith.index_cast %min3A_233 : i32 to index
        %get3A_238 = arith.constant 0 : index
        %get3A_239 = vector.load %arg1[%get3A_237, %get3A_238] : memref<157x128xf32, #tpu.memory_space<vmem>>, vector<1x128xf32>
        %get3A_240 = arith.index_cast %min3A_233 : i32 to index
        %get3A_241 = arith.constant 0 : index
        %get3A_242 = vector.load %arg2[%get3A_240, %get3A_241] : memref<157x128xf32, #tpu.memory_space<vmem>>, vector<1x128xf32>
        %get3A_243 = arith.index_cast %min3A_233 : i32 to index
        %get3A_244 = arith.constant 0 : index
        %get3A_245 = vector.load %arg3[%get3A_243, %get3A_244] : memref<157x128xf32, #tpu.memory_space<vmem>>, vector<1x128xf32>
        %get3A_246 = arith.index_cast %min3A_233 : i32 to index
        %get3A_247 = arith.constant 0 : index
        %get3A_248 = vector.load %arg4[%get3A_246, %get3A_247] : memref<157x128xf32, #tpu.memory_space<vmem>>, vector<1x128xf32>
        %get3A_249 = arith.constant 0 : index
        %get3A_250 = arith.constant 0 : index
        %get3A_251 = vector.load %arg6[%get3A_249, %get3A_250] : memref<128x128xf32, #tpu.memory_space<vmem>>, vector<128x128xf32>
        %get3A_252 = arith.constant 0 : index
        %get3A_253 = arith.constant 0 : index
        %get3A_254 = vector.load %arg7[%get3A_252, %get3A_253] : memref<128x128xf32, #tpu.memory_space<vmem>>, vector<128x128xf32>
        %get3A_255 = arith.constant 0 : index
        %get3A_256 = arith.constant 0 : index
        %get3A_257 = vector.load %arg8[%get3A_255, %get3A_256] : memref<128x128xf32, #tpu.memory_space<vmem>>, vector<128x128xf32>
        %get3A_258 = arith.constant 0 : index
        %get3A_259 = arith.constant 0 : index
        %get3A_260 = vector.load %arg9[%get3A_258, %get3A_259] : memref<128x128xf32, #tpu.memory_space<vmem>>, vector<128x128xf32>
        %get3A_261 = arith.constant 0 : index
        %get3A_262 = arith.constant 0 : index
        %get3A_263 = vector.load %arg10[%get3A_261, %get3A_262] : memref<128x128xf32, #tpu.memory_space<vmem>>, vector<128x128xf32>
        %max3A_264 = vector.broadcast %get3A_236 : vector<1x128xf32> to vector<128x128xf32>
        %max3A_265 = arith.maximumf %get3A_251, %max3A_264 : vector<128x128xf32>
        %max3A_266 = vector.broadcast %get3A_239 : vector<1x128xf32> to vector<128x128xf32>
        %max3A_267 = arith.maximumf %get3A_254, %max3A_266 : vector<128x128xf32>
        %min3A_268 = vector.broadcast %get3A_242 : vector<1x128xf32> to vector<128x128xf32>
        %min3A_269 = arith.minimumf %get3A_257, %min3A_268 : vector<128x128xf32>
        %min3A_270 = vector.broadcast %get3A_245 : vector<1x128xf32> to vector<128x128xf32>
        %min3A_271 = arith.minimumf %get3A_260, %min3A_270 : vector<128x128xf32>
        %sub3A_272 = arith.subf %min3A_269, %max3A_265 : vector<128x128xf32>
        %max3A_273 = arith.constant 0.000000e+00 : f32
        %max3A_274 = vector.broadcast %max3A_273 : f32 to vector<128x128xf32>
        %max3A_275 = arith.maximumf %sub3A_272, %max3A_274 : vector<128x128xf32>
        %sub3A_276 = arith.subf %min3A_271, %max3A_267 : vector<128x128xf32>
        %max3A_277 = arith.constant 0.000000e+00 : f32
        %max3A_278 = vector.broadcast %max3A_277 : f32 to vector<128x128xf32>
        %max3A_279 = arith.maximumf %sub3A_276, %max3A_278 : vector<128x128xf32>
        %mul3A_280 = arith.mulf %max3A_275, %max3A_279 : vector<128x128xf32>
        %add3A_281 = vector.broadcast %get3A_248 : vector<1x128xf32> to vector<128x128xf32>
        %add3A_282 = arith.addf %get3A_263, %add3A_281 : vector<128x128xf32>
        %sub3A_283 = arith.subf %add3A_282, %mul3A_280 : vector<128x128xf32>
        %max3A_284 = arith.constant 9.99999993E-9 : f32
        %max3A_285 = vector.broadcast %max3A_284 : f32 to vector<128x128xf32>
        %max3A_286 = arith.maximumf %sub3A_283, %max3A_285 : vector<128x128xf32>
        %div3A_287 = arith.divf %mul3A_280, %max3A_286 : vector<128x128xf32>
        %reduce_max3A_288 = arith.constant dense<0xFF800000> : vector<128xf32>
        %reduce_max3A_289 = vector.multi_reduction <maximumf>, %div3A_287, %reduce_max3A_288 [0] : vector<128x128xf32> to vector<128xf32>
        %broadcast_in_dim3A_290 = vector.shape_cast %reduce_max3A_289 : vector<128xf32> to vector<1x128xf32>
        %gt3A_291 = arith.constant 0.699999988 : f32
        %gt3A_292 = vector.broadcast %gt3A_291 : f32 to vector<1x128xf32>
        %gt3A_293 = arith.cmpf ogt, %broadcast_in_dim3A_290, %gt3A_292 : vector<1x128xf32>
        %get3A_294 = arith.index_cast %min3A_233 : i32 to index
        %get3A_295 = arith.constant 0 : index
        %get3A_296 = vector.load %arg5[%get3A_294, %get3A_295] : memref<157x128xf32, #tpu.memory_space<vmem>>, vector<1x128xf32>
        %jit3A_297 = arith.constant 0.000000e+00 : f32
        %broadcast_in_dim3A_298 = vector.broadcast %jit3A_297 : f32 to vector<1x128xf32>
        %select_n3A_299 = arith.select %gt3A_293, %broadcast_in_dim3A_298, %get3A_296 : vector<1x128xi1>, vector<1x128xf32>
        %swap3A_300 = arith.index_cast %min3A_233 : i32 to index
        %swap3A_301 = arith.constant 0 : index
        %swap3A_302 = vector.load %arg5[%swap3A_300, %swap3A_301] : memref<157x128xf32, #tpu.memory_space<vmem>>, vector<1x128xf32>
        tpu.vector_store %arg5[%swap3A_300, %swap3A_301], %select_n3A_299 {strides = array<i32>} : memref<157x128xf32, #tpu.memory_space<vmem>>, vector<1x128xf32>,
        %add3A_303 = arith.constant 2 : i32
        %add3A_304 = arith.addi %add3A_157, %add3A_303 : i32
        %min3A_305 = arith.constant 156 : i32
        %min3A_306 = arith.minsi %add3A_304, %min3A_305 : i32
        %get3A_307 = arith.index_cast %min3A_306 : i32 to index
        %get3A_308 = arith.constant 0 : index
        %get3A_309 = vector.load %arg0[%get3A_307, %get3A_308] : memref<157x128xf32, #tpu.memory_space<vmem>>, vector<1x128xf32>
        %get3A_310 = arith.index_cast %min3A_306 : i32 to index
        %get3A_311 = arith.constant 0 : index
        %get3A_312 = vector.load %arg1[%get3A_310, %get3A_311] : memref<157x128xf32, #tpu.memory_space<vmem>>, vector<1x128xf32>
        %get3A_313 = arith.index_cast %min3A_306 : i32 to index
        %get3A_314 = arith.constant 0 : index
        %get3A_315 = vector.load %arg2[%get3A_313, %get3A_314] : memref<157x128xf32, #tpu.memory_space<vmem>>, vector<1x128xf32>
        %get3A_316 = arith.index_cast %min3A_306 : i32 to index
        %get3A_317 = arith.constant 0 : index
        %get3A_318 = vector.load %arg3[%get3A_316, %get3A_317] : memref<157x128xf32, #tpu.memory_space<vmem>>, vector<1x128xf32>
        %get3A_319 = arith.index_cast %min3A_306 : i32 to index
        %get3A_320 = arith.constant 0 : index
        %get3A_321 = vector.load %arg4[%get3A_319, %get3A_320] : memref<157x128xf32, #tpu.memory_space<vmem>>, vector<1x128xf32>
        %get3A_322 = arith.constant 0 : index
        %get3A_323 = arith.constant 0 : index
        %get3A_324 = vector.load %arg6[%get3A_322, %get3A_323] : memref<128x128xf32, #tpu.memory_space<vmem>>, vector<128x128xf32>
        %get3A_325 = arith.constant 0 : index
        %get3A_326 = arith.constant 0 : index
        %get3A_327 = vector.load %arg7[%get3A_325, %get3A_326] : memref<128x128xf32, #tpu.memory_space<vmem>>, vector<128x128xf32>
        %get3A_328 = arith.constant 0 : index
        %get3A_329 = arith.constant 0 : index
        %get3A_330 = vector.load %arg8[%get3A_328, %get3A_329] : memref<128x128xf32, #tpu.memory_space<vmem>>, vector<128x128xf32>
        %get3A_331 = arith.constant 0 : index
        %get3A_332 = arith.constant 0 : index
        %get3A_333 = vector.load %arg9[%get3A_331, %get3A_332] : memref<128x128xf32, #tpu.memory_space<vmem>>, vector<128x128xf32>
        %get3A_334 = arith.constant 0 : index
        %get3A_335 = arith.constant 0 : index
        %get3A_336 = vector.load %arg10[%get3A_334, %get3A_335] : memref<128x128xf32, #tpu.memory_space<vmem>>, vector<128x128xf32>
        %max3A_337 = vector.broadcast %get3A_309 : vector<1x128xf32> to vector<128x128xf32>
        %max3A_338 = arith.maximumf %get3A_324, %max3A_337 : vector<128x128xf32>
        %max3A_339 = vector.broadcast %get3A_312 : vector<1x128xf32> to vector<128x128xf32>
        %max3A_340 = arith.maximumf %get3A_327, %max3A_339 : vector<128x128xf32>
        %min3A_341 = vector.broadcast %get3A_315 : vector<1x128xf32> to vector<128x128xf32>
        %min3A_342 = arith.minimumf %get3A_330, %min3A_341 : vector<128x128xf32>
        %min3A_343 = vector.broadcast %get3A_318 : vector<1x128xf32> to vector<128x128xf32>
        %min3A_344 = arith.minimumf %get3A_333, %min3A_343 : vector<128x128xf32>
        %sub3A_345 = arith.subf %min3A_342, %max3A_338 : vector<128x128xf32>
        %max3A_346 = arith.constant 0.000000e+00 : f32
        %max3A_347 = vector.broadcast %max3A_346 : f32 to vector<128x128xf32>
        %max3A_348 = arith.maximumf %sub3A_345, %max3A_347 : vector<128x128xf32>
        %sub3A_349 = arith.subf %min3A_344, %max3A_340 : vector<128x128xf32>
        %max3A_350 = arith.constant 0.000000e+00 : f32
        %max3A_351 = vector.broadcast %max3A_350 : f32 to vector<128x128xf32>
        %max3A_352 = arith.maximumf %sub3A_349, %max3A_351 : vector<128x128xf32>
        %mul3A_353 = arith.mulf %max3A_348, %max3A_352 : vector<128x128xf32>
        %add3A_354 = vector.broadcast %get3A_321 : vector<1x128xf32> to vector<128x128xf32>
        %add3A_355 = arith.addf %get3A_336, %add3A_354 : vector<128x128xf32>
        %sub3A_356 = arith.subf %add3A_355, %mul3A_353 : vector<128x128xf32>
        %max3A_357 = arith.constant 9.99999993E-9 : f32
        %max3A_358 = vector.broadcast %max3A_357 : f32 to vector<128x128xf32>
        %max3A_359 = arith.maximumf %sub3A_356, %max3A_358 : vector<128x128xf32>
        %div3A_360 = arith.divf %mul3A_353, %max3A_359 : vector<128x128xf32>
        %reduce_max3A_361 = arith.constant dense<0xFF800000> : vector<128xf32>
        %reduce_max3A_362 = vector.multi_reduction <maximumf>, %div3A_360, %reduce_max3A_361 [0] : vector<128x128xf32> to vector<128xf32>
        %broadcast_in_dim3A_363 = vector.shape_cast %reduce_max3A_362 : vector<128xf32> to vector<1x128xf32>
        %gt3A_364 = arith.constant 0.699999988 : f32
        %gt3A_365 = vector.broadcast %gt3A_364 : f32 to vector<1x128xf32>
        %gt3A_366 = arith.cmpf ogt, %broadcast_in_dim3A_363, %gt3A_365 : vector<1x128xf32>
        %get3A_367 = arith.index_cast %min3A_306 : i32 to index
        %get3A_368 = arith.constant 0 : index
        %get3A_369 = vector.load %arg5[%get3A_367, %get3A_368] : memref<157x128xf32, #tpu.memory_space<vmem>>, vector<1x128xf32>
        %jit3A_370 = arith.constant 0.000000e+00 : f32
        %broadcast_in_dim3A_371 = vector.broadcast %jit3A_370 : f32 to vector<1x128xf32>
        %select_n3A_372 = arith.select %gt3A_366, %broadcast_in_dim3A_371, %get3A_369 : vector<1x128xi1>, vector<1x128xf32>
        %swap3A_373 = arith.index_cast %min3A_306 : i32 to index
        %swap3A_374 = arith.constant 0 : index
        %swap3A_375 = vector.load %arg5[%swap3A_373, %swap3A_374] : memref<157x128xf32, #tpu.memory_space<vmem>>, vector<1x128xf32>
        tpu.vector_store %arg5[%swap3A_373, %swap3A_374], %select_n3A_372 {strides = array<i32>} : memref<157x128xf32, #tpu.memory_space<vmem>>, vector<1x128xf32>,
        %add3A_376 = arith.constant 3 : i32
        %add3A_377 = arith.addi %add3A_157, %add3A_376 : i32
        %min3A_378 = arith.constant 156 : i32
        %min3A_379 = arith.minsi %add3A_377, %min3A_378 : i32
        %get3A_380 = arith.index_cast %min3A_379 : i32 to index
        %get3A_381 = arith.constant 0 : index
        %get3A_382 = vector.load %arg0[%get3A_380, %get3A_381] : memref<157x128xf32, #tpu.memory_space<vmem>>, vector<1x128xf32>
        %get3A_383 = arith.index_cast %min3A_379 : i32 to index
        %get3A_384 = arith.constant 0 : index
        %get3A_385 = vector.load %arg1[%get3A_383, %get3A_384] : memref<157x128xf32, #tpu.memory_space<vmem>>, vector<1x128xf32>
        %get3A_386 = arith.index_cast %min3A_379 : i32 to index
        %get3A_387 = arith.constant 0 : index
        %get3A_388 = vector.load %arg2[%get3A_386, %get3A_387] : memref<157x128xf32, #tpu.memory_space<vmem>>, vector<1x128xf32>
        %get3A_389 = arith.index_cast %min3A_379 : i32 to index
        %get3A_390 = arith.constant 0 : index
        %get3A_391 = vector.load %arg3[%get3A_389, %get3A_390] : memref<157x128xf32, #tpu.memory_space<vmem>>, vector<1x128xf32>
        %get3A_392 = arith.index_cast %min3A_379 : i32 to index
        %get3A_393 = arith.constant 0 : index
        %get3A_394 = vector.load %arg4[%get3A_392, %get3A_393] : memref<157x128xf32, #tpu.memory_space<vmem>>, vector<1x128xf32>
        %get3A_395 = arith.constant 0 : index
        %get3A_396 = arith.constant 0 : index
        %get3A_397 = vector.load %arg6[%get3A_395, %get3A_396] : memref<128x128xf32, #tpu.memory_space<vmem>>, vector<128x128xf32>
        %get3A_398 = arith.constant 0 : index
        %get3A_399 = arith.constant 0 : index
        %get3A_400 = vector.load %arg7[%get3A_398, %get3A_399] : memref<128x128xf32, #tpu.memory_space<vmem>>, vector<128x128xf32>
        %get3A_401 = arith.constant 0 : index
        %get3A_402 = arith.constant 0 : index
        %get3A_403 = vector.load %arg8[%get3A_401, %get3A_402] : memref<128x128xf32, #tpu.memory_space<vmem>>, vector<128x128xf32>
        %get3A_404 = arith.constant 0 : index
        %get3A_405 = arith.constant 0 : index
        %get3A_406 = vector.load %arg9[%get3A_404, %get3A_405] : memref<128x128xf32, #tpu.memory_space<vmem>>, vector<128x128xf32>
        %get3A_407 = arith.constant 0 : index
        %get3A_408 = arith.constant 0 : index
        %get3A_409 = vector.load %arg10[%get3A_407, %get3A_408] : memref<128x128xf32, #tpu.memory_space<vmem>>, vector<128x128xf32>
        %max3A_410 = vector.broadcast %get3A_382 : vector<1x128xf32> to vector<128x128xf32>
        %max3A_411 = arith.maximumf %get3A_397, %max3A_410 : vector<128x128xf32>
        %max3A_412 = vector.broadcast %get3A_385 : vector<1x128xf32> to vector<128x128xf32>
        %max3A_413 = arith.maximumf %get3A_400, %max3A_412 : vector<128x128xf32>
        %min3A_414 = vector.broadcast %get3A_388 : vector<1x128xf32> to vector<128x128xf32>
        %min3A_415 = arith.minimumf %get3A_403, %min3A_414 : vector<128x128xf32>
        %min3A_416 = vector.broadcast %get3A_391 : vector<1x128xf32> to vector<128x128xf32>
        %min3A_417 = arith.minimumf %get3A_406, %min3A_416 : vector<128x128xf32>
        %sub3A_418 = arith.subf %min3A_415, %max3A_411 : vector<128x128xf32>
        %max3A_419 = arith.constant 0.000000e+00 : f32
        %max3A_420 = vector.broadcast %max3A_419 : f32 to vector<128x128xf32>
        %max3A_421 = arith.maximumf %sub3A_418, %max3A_420 : vector<128x128xf32>
        %sub3A_422 = arith.subf %min3A_417, %max3A_413 : vector<128x128xf32>
        %max3A_423 = arith.constant 0.000000e+00 : f32
        %max3A_424 = vector.broadcast %max3A_423 : f32 to vector<128x128xf32>
        %max3A_425 = arith.maximumf %sub3A_422, %max3A_424 : vector<128x128xf32>
        %mul3A_426 = arith.mulf %max3A_421, %max3A_425 : vector<128x128xf32>
        %add3A_427 = vector.broadcast %get3A_394 : vector<1x128xf32> to vector<128x128xf32>
        %add3A_428 = arith.addf %get3A_409, %add3A_427 : vector<128x128xf32>
        %sub3A_429 = arith.subf %add3A_428, %mul3A_426 : vector<128x128xf32>
        %max3A_430 = arith.constant 9.99999993E-9 : f32
        %max3A_431 = vector.broadcast %max3A_430 : f32 to vector<128x128xf32>
        %max3A_432 = arith.maximumf %sub3A_429, %max3A_431 : vector<128x128xf32>
        %div3A_433 = arith.divf %mul3A_426, %max3A_432 : vector<128x128xf32>
        %reduce_max3A_434 = arith.constant dense<0xFF800000> : vector<128xf32>
        %reduce_max3A_435 = vector.multi_reduction <maximumf>, %div3A_433, %reduce_max3A_434 [0] : vector<128x128xf32> to vector<128xf32>
        %broadcast_in_dim3A_436 = vector.shape_cast %reduce_max3A_435 : vector<128xf32> to vector<1x128xf32>
        %gt3A_437 = arith.constant 0.699999988 : f32
        %gt3A_438 = vector.broadcast %gt3A_437 : f32 to vector<1x128xf32>
        %gt3A_439 = arith.cmpf ogt, %broadcast_in_dim3A_436, %gt3A_438 : vector<1x128xf32>
        %get3A_440 = arith.index_cast %min3A_379 : i32 to index
        %get3A_441 = arith.constant 0 : index
        %get3A_442 = vector.load %arg5[%get3A_440, %get3A_441] : memref<157x128xf32, #tpu.memory_space<vmem>>, vector<1x128xf32>
        %jit3A_443 = arith.constant 0.000000e+00 : f32
        %broadcast_in_dim3A_444 = vector.broadcast %jit3A_443 : f32 to vector<1x128xf32>
        %select_n3A_445 = arith.select %gt3A_439, %broadcast_in_dim3A_444, %get3A_442 : vector<1x128xi1>, vector<1x128xf32>
        %swap3A_446 = arith.index_cast %min3A_379 : i32 to index
        %swap3A_447 = arith.constant 0 : index
        %swap3A_448 = vector.load %arg5[%swap3A_446, %swap3A_447] : memref<157x128xf32, #tpu.memory_space<vmem>>, vector<1x128xf32>
        tpu.vector_store %arg5[%swap3A_446, %swap3A_447], %select_n3A_445 {strides = array<i32>} : memref<157x128xf32, #tpu.memory_space<vmem>>, vector<1x128xf32>,
        %while3A_449 = arith.constant 0 : i32
        scf.yield %while3A_449 : i32
      }
      %while3A_149 = arith.constant 1 : i32
      %while3A_150 = scf.for %while3A_151 = %while3A_146 to %while3A_142 step %while3A_149 iter_args(%while3A_152 = %while3A_148) -> (i32)  : i32 {
        %add3A_153 = arith.constant 1 : i32
        %add3A_154 = arith.addi %scan3A_12, %add3A_153 : i32
        %mul3A_155 = arith.constant 4 : i32
        %mul3A_156 = arith.muli %while3A_151, %mul3A_155 : i32
        %add3A_157 = arith.addi %add3A_154, %mul3A_156 : i32
        %add3A_158 = arith.constant 0 : i32
        %add3A_159 = arith.addi %add3A_157, %add3A_158 : i32
        %min3A_160 = arith.constant 156 : i32
        %min3A_161 = arith.minsi %add3A_159, %min3A_160 : i32
        %get3A_162 = arith.index_cast %min3A_161 : i32 to index
        %get3A_163 = arith.constant 0 : index
        %get3A_164 = vector.load %arg0[%get3A_162, %get3A_163] : memref<157x128xf32, #tpu.memory_space<vmem>>, vector<1x128xf32>
        %get3A_165 = arith.index_cast %min3A_161 : i32 to index
        %get3A_166 = arith.constant 0 : index
        %get3A_167 = vector.load %arg1[%get3A_165, %get3A_166] : memref<157x128xf32, #tpu.memory_space<vmem>>, vector<1x128xf32>
        %get3A_168 = arith.index_cast %min3A_161 : i32 to index
        %get3A_169 = arith.constant 0 : index
        %get3A_170 = vector.load %arg2[%get3A_168, %get3A_169] : memref<157x128xf32, #tpu.memory_space<vmem>>, vector<1x128xf32>
        %get3A_171 = arith.index_cast %min3A_161 : i32 to index
        %get3A_172 = arith.constant 0 : index
        %get3A_173 = vector.load %arg3[%get3A_171, %get3A_172] : memref<157x128xf32, #tpu.memory_space<vmem>>, vector<1x128xf32>
        %get3A_174 = arith.index_cast %min3A_161 : i32 to index
        %get3A_175 = arith.constant 0 : index
        %get3A_176 = vector.load %arg4[%get3A_174, %get3A_175] : memref<157x128xf32, #tpu.memory_space<vmem>>, vector<1x128xf32>
        %get3A_177 = arith.constant 0 : index
        %get3A_178 = arith.constant 0 : index
        %get3A_179 = vector.load %arg6[%get3A_177, %get3A_178] : memref<128x128xf32, #tpu.memory_space<vmem>>, vector<128x128xf32>
        %get3A_180 = arith.constant 0 : index
        %get3A_181 = arith.constant 0 : index
        %get3A_182 = vector.load %arg7[%get3A_180, %get3A_181] : memref<128x128xf32, #tpu.memory_space<vmem>>, vector<128x128xf32>
        %get3A_183 = arith.constant 0 : index
        %get3A_184 = arith.constant 0 : index
        %get3A_185 = vector.load %arg8[%get3A_183, %get3A_184] : memref<128x128xf32, #tpu.memory_space<vmem>>, vector<128x128xf32>
        %get3A_186 = arith.constant 0 : index
        %get3A_187 = arith.constant 0 : index
        %get3A_188 = vector.load %arg9[%get3A_186, %get3A_187] : memref<128x128xf32, #tpu.memory_space<vmem>>, vector<128x128xf32>
        %get3A_189 = arith.constant 0 : index
        %get3A_190 = arith.constant 0 : index
        %get3A_191 = vector.load %arg10[%get3A_189, %get3A_190] : memref<128x128xf32, #tpu.memory_space<vmem>>, vector<128x128xf32>
        %max3A_192 = vector.broadcast %get3A_164 : vector<1x128xf32> to vector<128x128xf32>
        %max3A_193 = arith.maximumf %get3A_179, %max3A_192 : vector<128x128xf32>
        %max3A_194 = vector.broadcast %get3A_167 : vector<1x128xf32> to vector<128x128xf32>
        %max3A_195 = arith.maximumf %get3A_182, %max3A_194 : vector<128x128xf32>
        %min3A_196 = vector.broadcast %get3A_170 : vector<1x128xf32> to vector<128x128xf32>
        %min3A_197 = arith.minimumf %get3A_185, %min3A_196 : vector<128x128xf32>
        %min3A_198 = vector.broadcast %get3A_173 : vector<1x128xf32> to vector<128x128xf32>
        %min3A_199 = arith.minimumf %get3A_188, %min3A_198 : vector<128x128xf32>
        %sub3A_200 = arith.subf %min3A_197, %max3A_193 : vector<128x128xf32>
        %max3A_201 = arith.constant 0.000000e+00 : f32
        %max3A_202 = vector.broadcast %max3A_201 : f32 to vector<128x128xf32>
        %max3A_203 = arith.maximumf %sub3A_200, %max3A_202 : vector<128x128xf32>
        %sub3A_204 = arith.subf %min3A_199, %max3A_195 : vector<128x128xf32>
        %max3A_205 = arith.constant 0.000000e+00 : f32
        %max3A_206 = vector.broadcast %max3A_205 : f32 to vector<128x128xf32>
        %max3A_207 = arith.maximumf %sub3A_204, %max3A_206 : vector<128x128xf32>
        %mul3A_208 = arith.mulf %max3A_203, %max3A_207 : vector<128x128xf32>
        %add3A_209 = vector.broadcast %get3A_176 : vector<1x128xf32> to vector<128x128xf32>
        %add3A_210 = arith.addf %get3A_191, %add3A_209 : vector<128x128xf32>
        %sub3A_211 = arith.subf %add3A_210, %mul3A_208 : vector<128x128xf32>
        %max3A_212 = arith.constant 9.99999993E-9 : f32
        %max3A_213 = vector.broadcast %max3A_212 : f32 to vector<128x128xf32>
        %max3A_214 = arith.maximumf %sub3A_211, %max3A_213 : vector<128x128xf32>
        %div3A_215 = arith.divf %mul3A_208, %max3A_214 : vector<128x128xf32>
        %reduce_max3A = arith.constant dense<0xFF800000> : vector<128xf32>
        %reduce_max3A_216 = vector.multi_reduction <maximumf>, %div3A_215, %reduce_max3A [0] : vector<128x128xf32> to vector<128xf32>
        %broadcast_in_dim3A_217 = vector.shape_cast %reduce_max3A_216 : vector<128xf32> to vector<1x128xf32>
        %gt3A_218 = arith.constant 0.699999988 : f32
        %gt3A_219 = vector.broadcast %gt3A_218 : f32 to vector<1x128xf32>
        %gt3A_220 = arith.cmpf ogt, %broadcast_in_dim3A_217, %gt3A_219 : vector<1x128xf32>
        %get3A_221 = arith.index_cast %min3A_161 : i32 to index
        %get3A_222 = arith.constant 0 : index
        %get3A_223 = vector.load %arg5[%get3A_221, %get3A_222] : memref<157x128xf32, #tpu.memory_space<vmem>>, vector<1x128xf32>
        %jit3A_224 = arith.constant 0.000000e+00 : f32
        %broadcast_in_dim3A_225 = vector.broadcast %jit3A_224 : f32 to vector<1x128xf32>
        %select_n3A_226 = arith.select %gt3A_220, %broadcast_in_dim3A_225, %get3A_223 : vector<1x128xi1>, vector<1x128xf32>
        %swap3A_227 = arith.index_cast %min3A_161 : i32 to index
        %swap3A_228 = arith.constant 0 : index
        %swap3A_229 = vector.load %arg5[%swap3A_227, %swap3A_228] : memref<157x128xf32, #tpu.memory_space<vmem>>, vector<1x128xf32>
        tpu.vector_store %arg5[%swap3A_227, %swap3A_228], %select_n3A_226 {strides = array<i32>} : memref<157x128xf32, #tpu.memory_space<vmem>>, vector<1x128xf32>,
        %add3A_230 = arith.constant 1 : i32
        %add3A_231 = arith.addi %add3A_157, %add3A_230 : i32
        %min3A_232 = arith.constant 156 : i32
        %min3A_233 = arith.minsi %add3A_231, %min3A_232 : i32
        %get3A_234 = arith.index_cast %min3A_233 : i32 to index
        %get3A_235 = arith.constant 0 : index
        %get3A_236 = vector.load %arg0[%get3A_234, %get3A_235] : memref<157x128xf32, #tpu.memory_space<vmem>>, vector<1x128xf32>
        %get3A_237 = arith.index_cast %min3A_233 : i32 to index
        %get3A_238 = arith.constant 0 : index
        %get3A_239 = vector.load %arg1[%get3A_237, %get3A_238] : memref<157x128xf32, #tpu.memory_space<vmem>>, vector<1x128xf32>
        %get3A_240 = arith.index_cast %min3A_233 : i32 to index
        %get3A_241 = arith.constant 0 : index
        %get3A_242 = vector.load %arg2[%get3A_240, %get3A_241] : memref<157x128xf32, #tpu.memory_space<vmem>>, vector<1x128xf32>
        %get3A_243 = arith.index_cast %min3A_233 : i32 to index
        %get3A_244 = arith.constant 0 : index
        %get3A_245 = vector.load %arg3[%get3A_243, %get3A_244] : memref<157x128xf32, #tpu.memory_space<vmem>>, vector<1x128xf32>
        %get3A_246 = arith.index_cast %min3A_233 : i32 to index
        %get3A_247 = arith.constant 0 : index
        %get3A_248 = vector.load %arg4[%get3A_246, %get3A_247] : memref<157x128xf32, #tpu.memory_space<vmem>>, vector<1x128xf32>
        %get3A_249 = arith.constant 0 : index
        %get3A_250 = arith.constant 0 : index
        %get3A_251 = vector.load %arg6[%get3A_249, %get3A_250] : memref<128x128xf32, #tpu.memory_space<vmem>>, vector<128x128xf32>
        %get3A_252 = arith.constant 0 : index
        %get3A_253 = arith.constant 0 : index
        %get3A_254 = vector.load %arg7[%get3A_252, %get3A_253] : memref<128x128xf32, #tpu.memory_space<vmem>>, vector<128x128xf32>
        %get3A_255 = arith.constant 0 : index
        %get3A_256 = arith.constant 0 : index
        %get3A_257 = vector.load %arg8[%get3A_255, %get3A_256] : memref<128x128xf32, #tpu.memory_space<vmem>>, vector<128x128xf32>
        %get3A_258 = arith.constant 0 : index
        %get3A_259 = arith.constant 0 : index
        %get3A_260 = vector.load %arg9[%get3A_258, %get3A_259] : memref<128x128xf32, #tpu.memory_space<vmem>>, vector<128x128xf32>
        %get3A_261 = arith.constant 0 : index
        %get3A_262 = arith.constant 0 : index
        %get3A_263 = vector.load %arg10[%get3A_261, %get3A_262] : memref<128x128xf32, #tpu.memory_space<vmem>>, vector<128x128xf32>
        %max3A_264 = vector.broadcast %get3A_236 : vector<1x128xf32> to vector<128x128xf32>
        %max3A_265 = arith.maximumf %get3A_251, %max3A_264 : vector<128x128xf32>
        %max3A_266 = vector.broadcast %get3A_239 : vector<1x128xf32> to vector<128x128xf32>
        %max3A_267 = arith.maximumf %get3A_254, %max3A_266 : vector<128x128xf32>
        %min3A_268 = vector.broadcast %get3A_242 : vector<1x128xf32> to vector<128x128xf32>
        %min3A_269 = arith.minimumf %get3A_257, %min3A_268 : vector<128x128xf32>
        %min3A_270 = vector.broadcast %get3A_245 : vector<1x128xf32> to vector<128x128xf32>
        %min3A_271 = arith.minimumf %get3A_260, %min3A_270 : vector<128x128xf32>
        %sub3A_272 = arith.subf %min3A_269, %max3A_265 : vector<128x128xf32>
        %max3A_273 = arith.constant 0.000000e+00 : f32
        %max3A_274 = vector.broadcast %max3A_273 : f32 to vector<128x128xf32>
        %max3A_275 = arith.maximumf %sub3A_272, %max3A_274 : vector<128x128xf32>
        %sub3A_276 = arith.subf %min3A_271, %max3A_267 : vector<128x128xf32>
        %max3A_277 = arith.constant 0.000000e+00 : f32
        %max3A_278 = vector.broadcast %max3A_277 : f32 to vector<128x128xf32>
        %max3A_279 = arith.maximumf %sub3A_276, %max3A_278 : vector<128x128xf32>
        %mul3A_280 = arith.mulf %max3A_275, %max3A_279 : vector<128x128xf32>
        %add3A_281 = vector.broadcast %get3A_248 : vector<1x128xf32> to vector<128x128xf32>
        %add3A_282 = arith.addf %get3A_263, %add3A_281 : vector<128x128xf32>
        %sub3A_283 = arith.subf %add3A_282, %mul3A_280 : vector<128x128xf32>
        %max3A_284 = arith.constant 9.99999993E-9 : f32
        %max3A_285 = vector.broadcast %max3A_284 : f32 to vector<128x128xf32>
        %max3A_286 = arith.maximumf %sub3A_283, %max3A_285 : vector<128x128xf32>
        %div3A_287 = arith.divf %mul3A_280, %max3A_286 : vector<128x128xf32>
        %reduce_max3A_288 = arith.constant dense<0xFF800000> : vector<128xf32>
        %reduce_max3A_289 = vector.multi_reduction <maximumf>, %div3A_287, %reduce_max3A_288 [0] : vector<128x128xf32> to vector<128xf32>
        %broadcast_in_dim3A_290 = vector.shape_cast %reduce_max3A_289 : vector<128xf32> to vector<1x128xf32>
        %gt3A_291 = arith.constant 0.699999988 : f32
        %gt3A_292 = vector.broadcast %gt3A_291 : f32 to vector<1x128xf32>
        %gt3A_293 = arith.cmpf ogt, %broadcast_in_dim3A_290, %gt3A_292 : vector<1x128xf32>
        %get3A_294 = arith.index_cast %min3A_233 : i32 to index
        %get3A_295 = arith.constant 0 : index
        %get3A_296 = vector.load %arg5[%get3A_294, %get3A_295] : memref<157x128xf32, #tpu.memory_space<vmem>>, vector<1x128xf32>
        %jit3A_297 = arith.constant 0.000000e+00 : f32
        %broadcast_in_dim3A_298 = vector.broadcast %jit3A_297 : f32 to vector<1x128xf32>
        %select_n3A_299 = arith.select %gt3A_293, %broadcast_in_dim3A_298, %get3A_296 : vector<1x128xi1>, vector<1x128xf32>
        %swap3A_300 = arith.index_cast %min3A_233 : i32 to index
        %swap3A_301 = arith.constant 0 : index
        %swap3A_302 = vector.load %arg5[%swap3A_300, %swap3A_301] : memref<157x128xf32, #tpu.memory_space<vmem>>, vector<1x128xf32>
        tpu.vector_store %arg5[%swap3A_300, %swap3A_301], %select_n3A_299 {strides = array<i32>} : memref<157x128xf32, #tpu.memory_space<vmem>>, vector<1x128xf32>,
        %add3A_303 = arith.constant 2 : i32
        %add3A_304 = arith.addi %add3A_157, %add3A_303 : i32
        %min3A_305 = arith.constant 156 : i32
        %min3A_306 = arith.minsi %add3A_304, %min3A_305 : i32
        %get3A_307 = arith.index_cast %min3A_306 : i32 to index
        %get3A_308 = arith.constant 0 : index
        %get3A_309 = vector.load %arg0[%get3A_307, %get3A_308] : memref<157x128xf32, #tpu.memory_space<vmem>>, vector<1x128xf32>
        %get3A_310 = arith.index_cast %min3A_306 : i32 to index
        %get3A_311 = arith.constant 0 : index
        %get3A_312 = vector.load %arg1[%get3A_310, %get3A_311] : memref<157x128xf32, #tpu.memory_space<vmem>>, vector<1x128xf32>
        %get3A_313 = arith.index_cast %min3A_306 : i32 to index
        %get3A_314 = arith.constant 0 : index
        %get3A_315 = vector.load %arg2[%get3A_313, %get3A_314] : memref<157x128xf32, #tpu.memory_space<vmem>>, vector<1x128xf32>
        %get3A_316 = arith.index_cast %min3A_306 : i32 to index
        %get3A_317 = arith.constant 0 : index
        %get3A_318 = vector.load %arg3[%get3A_316, %get3A_317] : memref<157x128xf32, #tpu.memory_space<vmem>>, vector<1x128xf32>
        %get3A_319 = arith.index_cast %min3A_306 : i32 to index
        %get3A_320 = arith.constant 0 : index
        %get3A_321 = vector.load %arg4[%get3A_319, %get3A_320] : memref<157x128xf32, #tpu.memory_space<vmem>>, vector<1x128xf32>
        %get3A_322 = arith.constant 0 : index
        %get3A_323 = arith.constant 0 : index
        %get3A_324 = vector.load %arg6[%get3A_322, %get3A_323] : memref<128x128xf32, #tpu.memory_space<vmem>>, vector<128x128xf32>
        %get3A_325 = arith.constant 0 : index
        %get3A_326 = arith.constant 0 : index
        %get3A_327 = vector.load %arg7[%get3A_325, %get3A_326] : memref<128x128xf32, #tpu.memory_space<vmem>>, vector<128x128xf32>
        %get3A_328 = arith.constant 0 : index
        %get3A_329 = arith.constant 0 : index
        %get3A_330 = vector.load %arg8[%get3A_328, %get3A_329] : memref<128x128xf32, #tpu.memory_space<vmem>>, vector<128x128xf32>
        %get3A_331 = arith.constant 0 : index
        %get3A_332 = arith.constant 0 : index
        %get3A_333 = vector.load %arg9[%get3A_331, %get3A_332] : memref<128x128xf32, #tpu.memory_space<vmem>>, vector<128x128xf32>
        %get3A_334 = arith.constant 0 : index
        %get3A_335 = arith.constant 0 : index
        %get3A_336 = vector.load %arg10[%get3A_334, %get3A_335] : memref<128x128xf32, #tpu.memory_space<vmem>>, vector<128x128xf32>
        %max3A_337 = vector.broadcast %get3A_309 : vector<1x128xf32> to vector<128x128xf32>
        %max3A_338 = arith.maximumf %get3A_324, %max3A_337 : vector<128x128xf32>
        %max3A_339 = vector.broadcast %get3A_312 : vector<1x128xf32> to vector<128x128xf32>
        %max3A_340 = arith.maximumf %get3A_327, %max3A_339 : vector<128x128xf32>
        %min3A_341 = vector.broadcast %get3A_315 : vector<1x128xf32> to vector<128x128xf32>
        %min3A_342 = arith.minimumf %get3A_330, %min3A_341 : vector<128x128xf32>
        %min3A_343 = vector.broadcast %get3A_318 : vector<1x128xf32> to vector<128x128xf32>
        %min3A_344 = arith.minimumf %get3A_333, %min3A_343 : vector<128x128xf32>
        %sub3A_345 = arith.subf %min3A_342, %max3A_338 : vector<128x128xf32>
        %max3A_346 = arith.constant 0.000000e+00 : f32
        %max3A_347 = vector.broadcast %max3A_346 : f32 to vector<128x128xf32>
        %max3A_348 = arith.maximumf %sub3A_345, %max3A_347 : vector<128x128xf32>
        %sub3A_349 = arith.subf %min3A_344, %max3A_340 : vector<128x128xf32>
        %max3A_350 = arith.constant 0.000000e+00 : f32
        %max3A_351 = vector.broadcast %max3A_350 : f32 to vector<128x128xf32>
        %max3A_352 = arith.maximumf %sub3A_349, %max3A_351 : vector<128x128xf32>
        %mul3A_353 = arith.mulf %max3A_348, %max3A_352 : vector<128x128xf32>
        %add3A_354 = vector.broadcast %get3A_321 : vector<1x128xf32> to vector<128x128xf32>
        %add3A_355 = arith.addf %get3A_336, %add3A_354 : vector<128x128xf32>
        %sub3A_356 = arith.subf %add3A_355, %mul3A_353 : vector<128x128xf32>
        %max3A_357 = arith.constant 9.99999993E-9 : f32
        %max3A_358 = vector.broadcast %max3A_357 : f32 to vector<128x128xf32>
        %max3A_359 = arith.maximumf %sub3A_356, %max3A_358 : vector<128x128xf32>
        %div3A_360 = arith.divf %mul3A_353, %max3A_359 : vector<128x128xf32>
        %reduce_max3A_361 = arith.constant dense<0xFF800000> : vector<128xf32>
        %reduce_max3A_362 = vector.multi_reduction <maximumf>, %div3A_360, %reduce_max3A_361 [0] : vector<128x128xf32> to vector<128xf32>
        %broadcast_in_dim3A_363 = vector.shape_cast %reduce_max3A_362 : vector<128xf32> to vector<1x128xf32>
        %gt3A_364 = arith.constant 0.699999988 : f32
        %gt3A_365 = vector.broadcast %gt3A_364 : f32 to vector<1x128xf32>
        %gt3A_366 = arith.cmpf ogt, %broadcast_in_dim3A_363, %gt3A_365 : vector<1x128xf32>
        %get3A_367 = arith.index_cast %min3A_306 : i32 to index
        %get3A_368 = arith.constant 0 : index
        %get3A_369 = vector.load %arg5[%get3A_367, %get3A_368] : memref<157x128xf32, #tpu.memory_space<vmem>>, vector<1x128xf32>
        %jit3A_370 = arith.constant 0.000000e+00 : f32
        %broadcast_in_dim3A_371 = vector.broadcast %jit3A_370 : f32 to vector<1x128xf32>
        %select_n3A_372 = arith.select %gt3A_366, %broadcast_in_dim3A_371, %get3A_369 : vector<1x128xi1>, vector<1x128xf32>
        %swap3A_373 = arith.index_cast %min3A_306 : i32 to index
        %swap3A_374 = arith.constant 0 : index
        %swap3A_375 = vector.load %arg5[%swap3A_373, %swap3A_374] : memref<157x128xf32, #tpu.memory_space<vmem>>, vector<1x128xf32>
        tpu.vector_store %arg5[%swap3A_373, %swap3A_374], %select_n3A_372 {strides = array<i32>} : memref<157x128xf32, #tpu.memory_space<vmem>>, vector<1x128xf32>,
        %add3A_376 = arith.constant 3 : i32
        %add3A_377 = arith.addi %add3A_157, %add3A_376 : i32
        %min3A_378 = arith.constant 156 : i32
        %min3A_379 = arith.minsi %add3A_377, %min3A_378 : i32
        %get3A_380 = arith.index_cast %min3A_379 : i32 to index
        %get3A_381 = arith.constant 0 : index
        %get3A_382 = vector.load %arg0[%get3A_380, %get3A_381] : memref<157x128xf32, #tpu.memory_space<vmem>>, vector<1x128xf32>
        %get3A_383 = arith.index_cast %min3A_379 : i32 to index
        %get3A_384 = arith.constant 0 : index
        %get3A_385 = vector.load %arg1[%get3A_383, %get3A_384] : memref<157x128xf32, #tpu.memory_space<vmem>>, vector<1x128xf32>
        %get3A_386 = arith.index_cast %min3A_379 : i32 to index
        %get3A_387 = arith.constant 0 : index
        %get3A_388 = vector.load %arg2[%get3A_386, %get3A_387] : memref<157x128xf32, #tpu.memory_space<vmem>>, vector<1x128xf32>
        %get3A_389 = arith.index_cast %min3A_379 : i32 to index
        %get3A_390 = arith.constant 0 : index
        %get3A_391 = vector.load %arg3[%get3A_389, %get3A_390] : memref<157x128xf32, #tpu.memory_space<vmem>>, vector<1x128xf32>
        %get3A_392 = arith.index_cast %min3A_379 : i32 to index
        %get3A_393 = arith.constant 0 : index
        %get3A_394 = vector.load %arg4[%get3A_392, %get3A_393] : memref<157x128xf32, #tpu.memory_space<vmem>>, vector<1x128xf32>
        %get3A_395 = arith.constant 0 : index
        %get3A_396 = arith.constant 0 : index
        %get3A_397 = vector.load %arg6[%get3A_395, %get3A_396] : memref<128x128xf32, #tpu.memory_space<vmem>>, vector<128x128xf32>
        %get3A_398 = arith.constant 0 : index
        %get3A_399 = arith.constant 0 : index
        %get3A_400 = vector.load %arg7[%get3A_398, %get3A_399] : memref<128x128xf32, #tpu.memory_space<vmem>>, vector<128x128xf32>
        %get3A_401 = arith.constant 0 : index
        %get3A_402 = arith.constant 0 : index
        %get3A_403 = vector.load %arg8[%get3A_401, %get3A_402] : memref<128x128xf32, #tpu.memory_space<vmem>>, vector<128x128xf32>
        %get3A_404 = arith.constant 0 : index
        %get3A_405 = arith.constant 0 : index
        %get3A_406 = vector.load %arg9[%get3A_404, %get3A_405] : memref<128x128xf32, #tpu.memory_space<vmem>>, vector<128x128xf32>
        %get3A_407 = arith.constant 0 : index
        %get3A_408 = arith.constant 0 : index
        %get3A_409 = vector.load %arg10[%get3A_407, %get3A_408] : memref<128x128xf32, #tpu.memory_space<vmem>>, vector<128x128xf32>
        %max3A_410 = vector.broadcast %get3A_382 : vector<1x128xf32> to vector<128x128xf32>
        %max3A_411 = arith.maximumf %get3A_397, %max3A_410 : vector<128x128xf32>
        %max3A_412 = vector.broadcast %get3A_385 : vector<1x128xf32> to vector<128x128xf32>
        %max3A_413 = arith.maximumf %get3A_400, %max3A_412 : vector<128x128xf32>
        %min3A_414 = vector.broadcast %get3A_388 : vector<1x128xf32> to vector<128x128xf32>
        %min3A_415 = arith.minimumf %get3A_403, %min3A_414 : vector<128x128xf32>
        %min3A_416 = vector.broadcast %get3A_391 : vector<1x128xf32> to vector<128x128xf32>
        %min3A_417 = arith.minimumf %get3A_406, %min3A_416 : vector<128x128xf32>
        %sub3A_418 = arith.subf %min3A_415, %max3A_411 : vector<128x128xf32>
        %max3A_419 = arith.constant 0.000000e+00 : f32
        %max3A_420 = vector.broadcast %max3A_419 : f32 to vector<128x128xf32>
        %max3A_421 = arith.maximumf %sub3A_418, %max3A_420 : vector<128x128xf32>
        %sub3A_422 = arith.subf %min3A_417, %max3A_413 : vector<128x128xf32>
        %max3A_423 = arith.constant 0.000000e+00 : f32
        %max3A_424 = vector.broadcast %max3A_423 : f32 to vector<128x128xf32>
        %max3A_425 = arith.maximumf %sub3A_422, %max3A_424 : vector<128x128xf32>
        %mul3A_426 = arith.mulf %max3A_421, %max3A_425 : vector<128x128xf32>
        %add3A_427 = vector.broadcast %get3A_394 : vector<1x128xf32> to vector<128x128xf32>
        %add3A_428 = arith.addf %get3A_409, %add3A_427 : vector<128x128xf32>
        %sub3A_429 = arith.subf %add3A_428, %mul3A_426 : vector<128x128xf32>
        %max3A_430 = arith.constant 9.99999993E-9 : f32
        %max3A_431 = vector.broadcast %max3A_430 : f32 to vector<128x128xf32>
        %max3A_432 = arith.maximumf %sub3A_429, %max3A_431 : vector<128x128xf32>
        %div3A_433 = arith.divf %mul3A_426, %max3A_432 : vector<128x128xf32>
        %reduce_max3A_434 = arith.constant dense<0xFF800000> : vector<128xf32>
        %reduce_max3A_435 = vector.multi_reduction <maximumf>, %div3A_433, %reduce_max3A_434 [0] : vector<128x128xf32> to vector<128xf32>
        %broadcast_in_dim3A_436 = vector.shape_cast %reduce_max3A_435 : vector<128xf32> to vector<1x128xf32>
        %gt3A_437 = arith.constant 0.699999988 : f32
        %gt3A_438 = vector.broadcast %gt3A_437 : f32 to vector<1x128xf32>
        %gt3A_439 = arith.cmpf ogt, %broadcast_in_dim3A_436, %gt3A_438 : vector<1x128xf32>
        %get3A_440 = arith.index_cast %min3A_379 : i32 to index
        %get3A_441 = arith.constant 0 : index
        %get3A_442 = vector.load %arg5[%get3A_440, %get3A_441] : memref<157x128xf32, #tpu.memory_space<vmem>>, vector<1x128xf32>
        %jit3A_443 = arith.constant 0.000000e+00 : f32
        %broadcast_in_dim3A_444 = vector.broadcast %jit3A_443 : f32 to vector<1x128xf32>
        %select_n3A_445 = arith.select %gt3A_439, %broadcast_in_dim3A_444, %get3A_442 : vector<1x128xi1>, vector<1x128xf32>
        %swap3A_446 = arith.index_cast %min3A_379 : i32 to index
        %swap3A_447 = arith.constant 0 : index
        %swap3A_448 = vector.load %arg5[%swap3A_446, %swap3A_447] : memref<157x128xf32, #tpu.memory_space<vmem>>, vector<1x128xf32>
        tpu.vector_store %arg5[%swap3A_446, %swap3A_447], %select_n3A_445 {strides = array<i32>} : memref<157x128xf32, #tpu.memory_space<vmem>>, vector<1x128xf32>,
        %while3A_449 = arith.constant 0 : i32
        scf.yield %while3A_449 : i32
      }
    }
    %scan3A_11 = arith.constant 157 : i32
    return
  }
}

</mosaic_0001>

<sc_bundles>
// kernel: gather_offload_async_start
scs
__scs_entry_jumppad:
0x0: {  	(pc) =	sbr.rel $0x88, $3  }
0x1: {  	(tag) =	ssettag $0x0;
	lr =	simm.s32 $0x1  }
0x2: {  	[smem:$0x3F9F] =	sst lr;
	_ =	strace $0xD0000000  }
0x3: {  	_ = 	snop  }
0x4: {  	_ = 	snop  }
0x5: {  	_ = 	snop  }
0x6: {  	_ = 	snop  }
0x7: {  	_ = 	snop  }
__scs_overlays_trampoline_lowered:
0x8: {  	[smem:$0x3FAE] =	sst s0  }
0x9: {  	[smem:$0x3FAF] =	sst s1  }
0xa: {  	[smem:$0x3FB0] =	sst s2  }
0xb: {  	[smem:$0x3FB1] =	sst s3  }
0xc: {  	[smem:$0x3FB2] =	sst s4  }
0xd: {  	[smem:$0x3FB3] =	sst s5  }
0xe: {  	[smem:$0x3FB4] =	sst s6  }
0xf: {  	[smem:$0x3FB5] =	sst s7  }
0x10: {  	[smem:$0x3FB6] =	sst s8  }
0x11: {  	[smem:$0x3FB7] =	sst s9;
	s0 =	simm.s32 @!p0 $0x0  }
0x12: {  	s1 =	sld [smem:$0x3F9D];
	s0 =	simm.s32 @p0 $0x1  }
0x13: {  	[smem:$0x3FB8] =	sst s0;
	s0 =	simm.s32 @!p1 $0x0  }
0x14: {  	s2 =	sld [smem:$0x3F9C];
	s0 =	simm.s32 @p1 $0x1  }
0x15: {  	[smem:$0x3FB9] =	sst s0;
	s0 =	simm.s32 @!p2 $0x0  }
0x16: {  	s3 =	sld [smem:$0x3FDB];
	s0 =	simm.s32 @p2 $0x1  }
0x17: {  	s4 =	simm.s32 $0x1BF5;
	[smem:$0x3FBB] =	sst s0  }
0x18: {  	s0 =	sld [smem:$0x3F9E];
	_ =	swait.ge [sflag:s4], $0x0  }
0x19: {  	s7 =	sld [smem:$0x3F9F]  }
0x1a: {  	s8 =	sadd.s32 $0xFFFFE003, lr  }
0x1b: {  	s9 =	sadd.s32 $0xFFFFFEF7, lr;
	s5 =	simm.s32 $0xFFFFFFFF;
	p2 =	slt.u32 s8, $0xFFFFF086  }
0x1c: {  	p1 =	slt.u32 s9, $0xF7A;
	s5 =	simm.s32 @!p2 $0x0  }
0x1d: {  	s5 =	simm.s32 @p1 $0x1;
	p0 =	seq.s32 s7, s2  }
0x1e: {  	s7 =	smul.u32 @!p0 $0xF7A, s2;
	p2 =	seq.s32 @!p0 s5, $0x0  }
0x1f: {  	s9 =	smul.u32 $0xF7A, s1;
	s8 =	simm.s32 @!p0 $0x1BF5;
	p2 =	por !p2, p0  }
0x20: {  	[sflag:s8] =	ssyncset.s32 @!p0 $0xFFFFF086;
	s6 =	sadd.s32 @!p0 s3, s7;
	s7 =	simm.s32 @!p0 $0x108  }
0x21: {  	s3 =	sadd.s32 s3, s9;
	s6 =	sadd.s32 @!p0 $0x88, s6;
	s7 =	simm.s32 @p2 $0x1082  }
0x22: {  	[simem:s7], [sflag:s8] =	dma.local @!p0 [hbm:s6], $0xF7A  }
0x23: {  	s9 =	sor.u32 $0xD0000000, s2;
	s6 =	simm.s32 $0x108;
	_ =	swait.ge @!p0 [sflag:s8], $0x0  }
0x24: {  	s3 =	sadd.s32 $0x88, s3;
	s6 =	simm.s32 @!p1 $0x1082;
	[sflag:s4] =	ssyncset.s32 $0xFFFFF086  }
0x25: {  	[simem:s6], [sflag:s4] =	dma.local [hbm:s3], $0xF7A  }
0x26: {  	[smem:$0x3F9F] =	sst s1;
	(tag) =	ssettag s2;
	_ =	strace s9  }
0x27: {  	s1 =	sld [smem:$0x3FAF]  }
0x28: {  	s2 =	sld [smem:$0x3FB0]  }
0x29: {  	s4 =	sld [smem:$0x3FB2]  }
0x2a: {  	p0 =	seq.s32 s5, $0x0;
	s5 =	sld [smem:$0x3FB3]  }
0x2b: {  	s6 =	sld [smem:$0x3FB4]  }
0x2c: {  	s7 =	sld [smem:$0x3FB5]  }
0x2d: {  	s3 =	simm.s32 $0x108;
	s8 =	sld [smem:$0x3FB6]  }
0x2e: {  	s3 =	simm.s32 @!p0 $0x1082;
	s9 =	sld [smem:$0x3FB7]  }
0x2f: {  	lr =	sadd.s32 s0, s3;
	s0 =	sld [smem:$0x3FAE]  }
0x30: {  	s3 =	sld [smem:$0x3FB1]  }
0x31: {  	[smem:$0x3FBA] =	sst s10  }
0x32: {  	s10 =	sld [smem:$0x3FB8];
	_ =	sdelay $0x3  }
0x33: {  	p0 =	seq.s32 s10, $0x1;
	s10 =	sld [smem:$0x3FBA];
	_ =	sdelay $0x3  }
0x34: {  	[smem:$0x3FBA] =	sst s10  }
0x35: {  	s10 =	sld [smem:$0x3FB9];
	_ =	sdelay $0x3  }
0x36: {  	p1 =	seq.s32 s10, $0x1;
	s10 =	sld [smem:$0x3FBA];
	_ =	sdelay $0x3  }
0x37: {  	[smem:$0x3FBA] =	sst s10  }
0x38: {  	s10 =	sld [smem:$0x3FBB]  }
0x39: {  	_ = 	snop;
	(pc) =	sbr.ind lr, $3  }
0x3a: {  	_ = 	snop  }
0x3b: {  	_ = 	snop  }
0x3c: {  	p2 =	seq.s32 s10, $0x1;
	s10 =	sld [smem:$0x3FBA]  }
0x3d: {  	_ =	shalt  }
0x3e: {  	_ =	shalt  }
0x3f: {  	_ =	shalt  }
0x40: {  	_ =	shalt  }
0x41: {  	_ =	shalt  }
0x42: {  	_ =	shalt  }
0x43: {  	_ =	shalt  }
0x44: {  	_ =	shalt  }
0x45: {  	_ =	shalt  }
0x46: {  	_ =	shalt  }
0x47: {  	_ =	shalt  }
0x48: {  	_ =	shalt  }
0x49: {  	_ =	shalt  }
0x4a: {  	_ =	shalt  }
0x4b: {  	_ =	shalt  }
0x4c: {  	_ =	shalt  }
0x4d: {  	_ =	shalt  }
0x4e: {  	_ =	shalt  }
0x4f: {  	_ =	shalt  }
0x50: {  	_ =	shalt  }
0x51: {  	_ =	shalt  }
0x52: {  	_ =	shalt  }
0x53: {  	_ =	shalt  }
0x54: {  	_ =	shalt  }
0x55: {  	_ =	shalt  }
0x56: {  	_ =	shalt  }
0x57: {  	_ =	shalt  }
0x58: {  	_ =	shalt  }
0x59: {  	_ =	shalt  }
0x5a: {  	_ =	shalt  }
0x5b: {  	_ =	shalt  }
0x5c: {  	_ =	shalt  }
0x5d: {  	_ =	shalt  }
0x5e: {  	_ =	shalt  }
0x5f: {  	_ =	shalt  }
0x60: {  	_ =	shalt  }
0x61: {  	_ =	shalt  }
0x62: {  	_ =	shalt  }
0x63: {  	_ =	shalt  }
0x64: {  	_ =	shalt  }
0x65: {  	_ =	shalt  }
0x66: {  	_ =	shalt  }
0x67: {  	_ =	shalt  }
0x68: {  	_ =	shalt  }
0x69: {  	_ =	shalt  }
0x6a: {  	_ =	shalt  }
0x6b: {  	_ =	shalt  }
0x6c: {  	_ =	shalt  }
0x6d: {  	_ =	shalt  }
0x6e: {  	_ =	shalt  }
0x6f: {  	_ =	shalt  }
0x70: {  	_ =	shalt  }
0x71: {  	_ =	shalt  }
0x72: {  	_ =	shalt  }
0x73: {  	_ =	shalt  }
0x74: {  	_ =	shalt  }
0x75: {  	_ =	shalt  }
0x76: {  	_ =	shalt  }
0x77: {  	_ =	shalt  }
0x78: {  	_ =	shalt  }
0x79: {  	_ =	shalt  }
0x7a: {  	_ =	shalt  }
0x7b: {  	_ =	shalt  }
0x7c: {  	_ =	shalt  }
0x7d: {  	_ =	shalt  }
0x7e: {  	_ =	shalt  }
0x7f: {  	_ =	shalt  }
0x80: {  	_ =	shalt  }
0x81: {  	_ =	shalt  }
0x82: {  	_ =	shalt  }
0x83: {  	_ =	shalt  }
0x84: {  	_ =	shalt  }
0x85: {  	_ =	shalt  }
0x86: {  	_ =	shalt  }
0x87: {  	_ =	shalt  }
.Lfunc_end0:
.L_simem_size_0:
called_computation_lowered:
.L_overlay_start_0:
0x88: {  	s2 =	sld [smem:$0x3FD9]  }
0x89: {  	s3 =	sld [smem:$0x3FFE];
	_ =	sdelay $0x1  }
0x8a: {  	s1 =	srdreg.scid  }
0x8b: {  	s0 =	sand.u32 $0x1, s1  }
0x8c: {  	s14 =	sshll.u32 s0, $0xA;
	s2 =	sadd.s32 s3, s2  }
0x8d: {  	s2 =	sadd.s32 s2, s14  }
0x8e: {  	[smem:$0x3FC6] =	sst s2  }
0x8f: {  	_ = 	snop  }
0x90: {  	s2 =	sld [smem:$0x3FD0];
	_ =	sdelay $0x2  }
0x91: {  	s15 =	simm.s32 $0xA;
	s4 =	simm.s32 $0x10  }
0x92: {  	[smem:s4], [sflag:s15] =	dma.local [hbm:s2], $0x1  }
0x93: {  	_ =	swait.eq [sflag:s15], $0x1  }
0x94: {  	[sflag:s15] =	ssyncset.done $0x0  }
0x95: {  	[sflag:s15] =	ssyncadd.s32 $0xFFFFFFFF  }
0x96: {  	s16 =	sld [smem:$0x10];
	(tm) =	ssettm $0x1  }
0x97: {  	s17 =	sld [smem:$0x3FFB];
	_ =	sdelay $0x3  }
0x98: {  	_ =	strace s17  }
0x99: {  	s3 =	sld [smem:$0x3FFC];
	_ =	sdelay $0x3  }
0x9a: {  	_ =	strace s3  }
0x9b: {  	s3 =	sld [smem:$0x3FFD];
	_ =	sdelay $0x3  }
0x9c: {  	_ =	strace s3  }
0x9d: {  	_ =	strace $0x8FFFFFFF  }
0x9e: {  	s18 =	sld [smem:$0x3FDB];
	_ =	sdelay $0x1  }
0x9f: {  	s19 =	simm.s32 $_scs_section_size  }
0xa0: {  	s5 =	simm.s32 $_size__tile_overlayer_lowered;
	s6 =	simm.s32 $_tile_overlayer_lowered  }
0xa1: {  	s22 =	simm.s32 $0x1BFF;
	s21 =	sshll.u32 s6, $0x1;
	s3 =	sadd.s32 s19, s18  }
0xa2: {  	s7 =	simm.s32 $0x0;
	s20 =	sshll.u32 s5, $0x1;
	s5 =	sadd.s32 s21, s3  }
0xa3: {  	[timem:s7], [sflag:s22] =	dma.local [hbm:s5], s20  }
0xa4: {  	_ =	swait.ge [sflag:s22], s20  }
0xa5: {  	s4 =	ssub.s32 $0x0, s20;
	[sflag:s22] =	ssyncset.done $0x0  }
0xa6: {  	[sflag:s22] =	ssyncadd.s32 s4;
	_ =	sdelay $0x1  }
0xa7: {  	s23 =	simm.s32 $0x1B8B  }
0xa8: {  	_ =	swait.ge [sflag:s23], $0x1  }
0xa9: {  	[sflag:s23] =	ssyncset.done $0x0  }
0xaa: {  	s25 =	simm.s32 $0x1B8E;
	s24 =	sld [smem:$0x3FFE];
	[sflag:s23] =	ssyncadd.s32 $0xFFFFFFFF  }
0xab: {  	s26 =	simm.s32 $execute0_lowered;
	[smem:$0x3FD2] =	sst s25  }
0xac: {  	s5 =	sshll.u32 s26, $0x1;
	_ =	strace $0x80000046;
	[dreg:$0x1] =	wrdreg $0xFFFFFFFF  }
0xad: {  	s28 =	simm.s32 $_size_execute0_lowered;
	s3 =	sadd.s32 s3, s5;
	[dreg:$0x0] =	wrdreg $0x0  }
0xae: {  	s5 =	sshll.u32 s28, $0x1;
	[dreg:$0x2] =	wrdreg s3  }
0xaf: {  	[dreg:$0x3] =	wrdreg s5  }
0xb0: {  	[dreg:$0x4] =	wrdreg $0xC0  }
0xb1: {  	_ =	task [dreg:s7], $0x5FFFF  }
0xb2: {  	[dreg:$0x1] =	wrdreg $0xFFFFFFFF  }
0xb3: {  	[dreg:$0x0] =	wrdreg $0x60  }
0xb4: {  	[dreg:$0x2] =	wrdreg s24  }
0xb5: {  	[dreg:$0x3] =	wrdreg s16  }
0xb6: {  	[dreg:$0x4] =	wrdreg $0x9  }
0xb7: {  	_ =	task.clear_ibuf [dreg:s7], $0x5FFFF;
	_ =	strace $0x90000046  }
0xb8: {  	s29 =	simm.s32 $0x9;
	_ =	strace $0x80000048  }
0xb9: {  	_ =	swait.ge [sflag:s29], $0x1  }
0xba: {  	[sflag:s29] =	ssyncadd.s32 $0xFFFFFFFF  }
0xbb: {  	_ =	strace $0x90000048  }
0xbc: {  	_ =	sfence  }
0xbd: {  	s30 =	sld [smem:$0x0];
	_ =	sdelay $0x2  }
0xbe: {  	s31 =	sshll.u32 s1, $0xD;
	s1 =	sshrl.u32 s1, $0x2  }
0xbf: {  	s3 =	sand.u32 $0x4000, s31;
	s1 =	sadd.s32 s1, s30  }
0xc0: {  	s0 =	sor.u32 s3, s0;
	s1 =	sshll.u32 s1, $0x11  }
0xc1: {  	s0 =	sor.u32 s1, s0  }
0xc2: {  	s0 =	sadd.s32 $0x8F2B, s0  }
0xc3: {  	[sflag:s0] =	ssyncadd.remote.s32 $0x1  }
0xc4: {  	_ =	sfence.sel $0xFFFF  }
0xc5: {  	[dreg:$0x0] =	wrdreg $0xFFFFFFFF;
	(pc) =	sbr.abs _section_cstart, $3  }
0xc6: {  	[dreg:$0x1] =	wrdreg $0xFFFFFFFF  }
0xc7: {  	_ =	task.clear_ibuf [dreg:s7], $0x2FFFF;
	_ =	strace $0x9FFFFFFF  }
0xc8: {  	(tm) =	ssettm $0x7FFFFFFF  }
0xc9: {  	_ =	shalt  }
tec
execute0_lowered:
.L_overlay_start_1:
0x0: {  	(tag) =	ssettag $0x1  }
0x1: {  	s0 =	srdreg.scid  }
0x2: {  	s1 =	sshll.u32 s0, $0x4  }
0x3: {  	s0 =	stileid.u32;
	s1 =	sand.u32 $0x10, s1  }
0x4: {  	s2 =	sor.u32 s0, s1  }
0x5: {  	s1 =	smin.u32 s2, $0x12  }
0x6: {  	s1 =	sadd.s32 s2, s1  }
0x7: {  	p0 =	slt.u32 s2, $0x12;
	s2 =	simm.s32 $0x320;
	s1 =	smul.u32 $0x190, s1  }
0x8: {  	s2 =	simm.s32 @!p0 $0x190  }
0x9: {  	s2 =	sadd.s32 s2, s1  }
0xa: {  	s3 =	smin.u32 s2, $0x4E20  }
0xb: {  	s7 =	ssub.s32 s3, s1  }
0xc: {  	p0 =	sgt.s32 s7, $0x0  }
0xd: {  	s7 =	simm.s32 @!p0 $0x0  }
0xe: {  	s31 =	sand.u32 $0xFFF0, s7  }
0xf: {  	s2 =	sshrl.u32 s31, $0x4  }
0x10: {  	s4 =	rddreg [dreg:$0x0];
	s2 =	smul.u32 $0xA3E, s2  }
0x11: {  	s5 =	rddreg [dreg:$0x1]  }
0x12: {  	s6 =	simm.s32 $0x1;
	s10 =	simm.s32 $0x3;
	s8 =	sshrl.u32 s2, $0x10  }
0x13: {  	s13 =	simm.s32 $0x0;
	s12 =	simm.s32 $0x0;
	s9 =	smul.u32 $0x190, s8  }
.Ltmp0:
0x14: {  	s11 =	smov.u32 s1;
	s2 =	rddreg [dreg:$0x2];
	(pc) =	sbr.rel .LBB2_1-.Ltmp0, $4  }
0x15: {  	_ =	strace $0x80000047;
	p0 =	sne.s32 s7, s9;
	s9 =	simm.s32 $0x1  }
0x16: {  	[sflag:s6] =	ssyncpa.u1 $0x0;
	s7 =	simm.s32 $0x2;
	s9 =	simm.s32 @!p0 $0x0  }
0x17: {  	[sflag:s7] =	ssyncpa.u1 $0x0;
	p0 =	por $0x0, $0x0;
	s8 =	sadd.s32 s8, s9  }
0x18: {  	vm0 =	vmmov $0xff;
	vm1 =	vcmask $0x3F20;
	s9 =	sadd.s32 $0x4E200, s4;
	[sflag:s10] =	ssyncpa.u1 $0x0;
	s10 =	sadd.s32 $0x1, s8  }
.LBB2_6:
0x19: {  	[hbm:s17] =	stream.linear.scatter [tilespmem:s14], [sflag:$0x3], $0x400, $0x38;
	[tilespmem:$0x19320] =	vst v63  }
.LBB2_7:
0x1a: {  	s13 =	sadd.s32 $0x190, s11  }
0x1b: {  	s15 =	smov.u32 s1;
	p2 =	slt.s32 s13, s3  }
0x1c: {  	s15 =	smov.u32 @p2 s13;
	p2 =	sne.s32 s12, s10  }
.Ltmp1:
0x1d: {  	p1 =	slt.u32 s12, $0x2;
	(pc) =	sbr.rel @!p2 .LBB2_8-.Ltmp1, $4  }
0x1e: {  	s14 =	simm.s32 @!p1 $0x3  }
0x1f: {  	s16 =	sadd.s32 $0x1, s12;
	_ =	swait.ge @!p1 [sflag:s14], $0xC800  }
0x20: {  	p0 =	por !p0, !p0;
	s13 =	smov.u32 s11;
	[sflag:s14] =	ssyncset.done @!p1 $0x0  }
0x21: {  	s12 =	smov.u32 s16;
	s11 =	smov.u32 s15;
	[sflag:s14] =	ssyncadd.s32 @!p1 $0xFFFF3800  }
.LBB2_1:
0x22: {  	p1 =	sge.u32 s12, s8  }
0x23: {  	s14 =	sxor.u32 @!p1 $0xFFFFFFFF, s12  }
0x24: {  	s14 =	sand.u32 @!p1 $0x1, s14  }
0x25: {  	s14 =	smul.u32 @!p1 $0x640, s14  }
0x26: {  	s31 =	sadd.s32 $0xFFFFFFFF, s12;
	s15 =	sshrl.u32 @!p1 s11, $0x3  }
0x27: {  	s16 =	sand.u32 @!p1 $0x7, s11;
	s15 =	sadd.s32 @!p1 s5, s15;
	s14 =	sshrl.u32 @!p1 s14, $0x2  }
0x28: {  	[tilespmem:s14], [sflag:$0x2] =	stream.linear.gather @!p1 [hbm4b:s15+s16], $0x190, $0x38;
	[tilespmem:$0x19320] =	vst v63  }
0x29: {  	p1 =	sge.u32 s31, s8  }
.Ltmp2:
0x2a: {  	_ = 	snop;
	(pc) =	sbr.rel @p1 .LBB2_7-.Ltmp2, $1  }
0x2b: {  	_ =	sdelay $0x3  }
0x2c: {  	s14 =	simm.s32 $0x1  }
0x2d: {  	s14 =	simm.s32 @!p0 $0x0  }
0x2e: {  	s15 =	smul.u32 $0x640, s14  }
0x2f: {  	_ =	swait.ge [sflag:s7], $0x190  }
0x30: {  	[sflag:s7] =	ssyncset.done $0x0;
	s16 =	sshrl.u32 s15, $0x2  }
0x31: {  	[sflag:s7] =	ssyncadd.s32 $0xFFFFFE70;
	s15 =	sadd.s32 $0x0, s16  }
0x32: {  	v0 =	vld.msk [tilespmem:s15+$0x0 ss:$0x1], $0xffff;
	_ =	sdelay $0x4  }
0x33: {  	vm2 =	vgt.s32 v0, $0x0  }
0x34: {  	v0 =	vnsel vm2, $0x0, v0  }
0x35: {  	v0 =	vmin.u32 v0, $0x4E1F  }
0x36: {  	v0 =	vshll.u32 v0, $0x4  }
0x37: {  	s14 =	smul.u32 $0x32000, s14;
	_ =	sdelay $0x1  }
0x38: {  	s14 =	sshrl.u32 s14, $0x2  }
0x39: {  	s14 =	sor.u32 $0x320, s14  }
0x3a: {  	[tilespmem:s14], [sflag:$0x1] =	stream.indirect_vreg.gather [hbm:s4], $0x80, v0, vm0, $0x38;
	[tilespmem:$0x19320] =	vst v63  }
0x3b: {  	s17 =	sadd.s32 $0x10, s16;
	s15 =	sadd.s32 $0x400, s14  }
0x3c: {  	[tilespmem:s15], [sflag:$0x1] =	stream.indirect_vreg.gather [hbm:s4], $0x80, v0, vm1, $0x38;
	[tilespmem:$0x19320] =	vst v63  }
0x3d: {  	s18 =	simm.s32 $0x80;
	v0 =	vld.msk [tilespmem:s17+$0x0 ss:$0x1], $0xffff;
	s17 =	smov.u32 s14  }
.LBB2_3:
0x3e: {  	p1 =	sne.s32 s18, $0x600;
	_ =	sdelay $0x4  }
0x3f: {  	vm2 =	vgt.s32 v0, $0x0  }
0x40: {  	v0 =	vnsel vm2, $0x0, v0  }
0x41: {  	v0 =	vmin.u32 v0, $0x4E1F  }
0x42: {  	v0 =	vshll.u32 v0, $0x4;
	_ =	sdelay $0x3  }
.Ltmp3:
0x43: {  	s19 =	sshra.s32 s18, $0x2;
	s17 =	sadd.s32 $0x800, s17;
	(pc) =	sbr.rel @p1 .LBB2_3-.Ltmp3, $4  }
0x44: {  	[tilespmem:s17], [sflag:$0x1] =	stream.indirect_vreg.gather [hbm:s4], $0x80, v0, vm0, $0x38;
	[tilespmem:$0x19320] =	vst v63  }
0x45: {  	s19 =	sadd.s32 s19, s16;
	s20 =	sadd.s32 $0x400, s17  }
0x46: {  	[tilespmem:s20], [sflag:$0x1] =	stream.indirect_vreg.gather [hbm:s4], $0x80, v0, vm1, $0x38;
	[tilespmem:$0x19320] =	vst v63  }
0x47: {  	s18 =	sadd.s32 $0x40, s18;
	v0 =	vld.msk [tilespmem:s19+$0x0 ss:$0x1], $0xffff  }
0x48: {  	_ =	sdelay $0x3  }
0x49: {  	vm2 =	vgt.s32 v0, $0x0  }
0x4a: {  	v0 =	vnsel vm2, $0x0, v0  }
0x4b: {  	v0 =	vmin.u32 v0, $0x4E1F  }
0x4c: {  	v0 =	vshll.u32 v0, $0x4;
	_ =	sdelay $0x3  }
0x4d: {  	s16 =	sadd.s32 $0x800, s17  }
0x4e: {  	[tilespmem:s16], [sflag:$0x1] =	stream.indirect_vreg.gather [hbm:s4], $0x80, v0, vm0, $0x38;
	[tilespmem:$0x19320] =	vst v63  }
0x4f: {  	s16 =	sadd.s32 $0x400, s16  }
0x50: {  	[tilespmem:s16], [sflag:$0x1] =	stream.indirect_vreg.gather [hbm:s4], $0x80, v0, vm1, $0x38;
	[tilespmem:$0x19320] =	vst v63  }
0x51: {  	s13 =	sshll.u32 s13, $0x4;
	_ =	swait.ge [sflag:s6], $0xC800  }
0x52: {  	s13 =	sadd.s32 s13, s9;
	[sflag:s6] =	ssyncset.done $0x0  }
0x53: {  	s17 =	sadd.s32 $0x0, s13;
	s16 =	simm.s32 $0x80;
	[sflag:s6] =	ssyncadd.s32 $0xFFFF3800  }
.LBB2_5:
0x54: {  	[hbm:s17] =	stream.linear.scatter [tilespmem:s14], [sflag:$0x3], $0x400, $0x38;
	[tilespmem:$0x19320] =	vst v63  }
0x55: {  	s17 =	smov.u32 s16;
	s14 =	smov.u32 s15;
	p1 =	sne.s32 s16, $0x1880  }
.Ltmp4:
0x56: {  	s16 =	sadd.s32 $0x80, s16;
	(pc) =	sbr.rel @p1 .LBB2_5-.Ltmp4, $2  }
0x57: {  	_ =	sdelay $0x2  }
0x58: {  	s15 =	sadd.s32 $0x400, s15;
	s17 =	sadd.s32 s17, s13  }
.Ltmp5:
0x59: {  	_ = 	snop;
	(pc) =	sbr.rel .LBB2_6-.Ltmp5, $1  }
0x5a: {  	_ =	sdelay $0x3  }
.LBB2_8:
0x5b: {  	_ =	sfence.sel $0x180000  }
0x5c: {  	s1 =	simm.s32 $0x2;
	[bflag:$0x0] =	sbarrier.arrive $0xFFFF  }
0x5d: {  	s30 =	simm.s32 $0x3;
	[sflag:s1] =	ssyncpa.u1 $0x1  }
0x5e: {  	s31 =	simm.s32 $0x1;
	[sflag:s30] =	ssyncpa.u1 $0x1  }
0x5f: {  	[sflag:s31] =	ssyncpa.u1 $0x1  }
0x60: {  	p0 =	sne.s32 s0, $0x0;
	_ =	strace $0x90000047  }
0x61: {  	s0 =	sadd.s32 @!p0 $0x100000, s2;
	[bflag:$0x2] =	sbarrier.arrive $0xFFFF  }
0x62: {  	[sflag:s0] =	ssyncadd.tile.s32 @!p0 $0x1;
	_ =	shalt  }
.Lfunc_end2:
_tile_overlayer_lowered:
.L_overlay_start_2:
0x63: {  	(tag) =	ssettag $0x2  }
0x64: {  	s0 =	rddreg [dreg:$0x0];
	s2 =	stileid.u32  }
0x65: {  	s1 =	rddreg [dreg:$0x1];
	p0 =	sne.s32 s2, $0x0  }
0x66: {  	s3 =	rddreg [dreg:$0x2];
	[bflag:$0x3] =	sbarrier.arrive $0xFFFF;
	s2 =	simm.s32 @!p0 $0x1C01  }
0x67: {  	[timem:s3], [sflag:s2] =	dma.local @!p0 [hbm:s0], s1  }
0x68: {  	s0 =	simm.s32 @!p0 $0x1  }
0x69: {  	_ =	swait.ge @!p0 [sflag:s0], s1  }
0x6a: {  	s1 =	ssub.s32 @!p0 $0x0, s1;
	[sflag:s0] =	ssyncset.done @!p0 $0x0  }
0x6b: {  	[sflag:s0] =	ssyncadd.s32 @!p0 s1  }
0x6c: {  	[bflag:$0x3] =	sbarrier.arrive $0xFFFF  }
0x6d: {  	_ =	shalt  }

</sc_bundles>
